<compile_context>
chip_gen: v7x
topology: tpu7x:2x2x1
jax: 0.10.2.dev20260603
libtpu: 0.0.44.dev20260713+nightly
codegen_flags: <defaults>
</compile_context>

<pallas_src>
import functools

import jax
import jax.numpy as jnp
from jax import lax
from jax.experimental import pallas as pl
from jax.experimental.pallas import tpu as pltpu
from jax.experimental.pallas import tpu_sc as plsc

_N = 10000
_D = 128
_E = 320000

_CH = 128
_NW = 32
_CA = 128
_CB = 30
_CHUNKS = max(_CA, _CB)
_EPAD = (_CA + _CB) * 16 * _CH
_NROWS = 10240
_RPT = _NROWS // 16
_OPT = _N // 16

_BLK = 1000
_GRID = _N // _BLK


def _sc_body(rx_hbm, row_hbm, col_hbm, out_hbm, row_v, col_v, rows_v, sem,
             shared):
    c = lax.axis_index("c")
    s = lax.axis_index("s")
    wid = c * 16 + s

    pltpu.sync_copy(row_hbm.at[wid], row_v)
    pltpu.sync_copy(col_hbm.at[wid], col_v)

    def _zr(r, carry):
        for c8 in range(_D // 16):
            rows_v[r, pl.ds(c8 * 16, 16)] = jnp.zeros((16,), jnp.float32)
        return carry

    lax.fori_loop(0, _CH, _zr, 0)
    for j in range(_RPT // _CH):
        pltpu.sync_copy(rows_v, shared.at[pl.ds(s * _RPT + j * _CH, _CH)])
    plsc.subcore_barrier()

    def _ebody(j, carry):
        pltpu.sync_copy(rx_hbm.at[row_v.at[j]], rows_v)
        pltpu.sync_copy(rows_v, shared.at[col_v.at[j]], add=True)
        return carry

    trip = jnp.where(c == 0, _CA, _CB)
    lax.fori_loop(0, trip, _ebody, 0)
    plsc.subcore_barrier()

    pltpu.sync_copy(shared.at[pl.ds(s * _RPT, _RPT)],
                    out_hbm.at[c, pl.ds(s * _RPT, _RPT)])


@functools.cache
def _sc_agg():
    return pl.kernel(
        _sc_body,
        out_type=jax.ShapeDtypeStruct((2, _NROWS, _D), jnp.float32),
        mesh=plsc.VectorSubcoreMesh(core_axis_name="c", subcore_axis_name="s"),
        scratch_types=[
            pltpu.VMEM((_CHUNKS, _CH), jnp.int32),
            pltpu.VMEM((_CHUNKS, _CH), jnp.int32),
            pltpu.VMEM((_CH, _D), jnp.float32),
            pltpu.SemaphoreType.DMA,
            pltpu.VMEM_SHARED((_NROWS, _D), jnp.float32),
        ],
    )


def _relu_body(x_ref, o_ref):
    o_ref[...] = jnp.maximum(x_ref[...], 0.0)


def _mlp1_body(eps_ref, x_ref, agg_ref, w1_ref, b1_ref, h1_ref, st_ref):
    i = pl.program_id(0)
    h = (1.0 + eps_ref[0, 0]) * x_ref[...] + agg_ref[0] + agg_ref[1]
    h1 = lax.dot_general(h, w1_ref[...], (((1,), (1,)), ((), ())),
                         preferred_element_type=jnp.float32) + b1_ref[...]
    h1_ref[...] = h1
    st = jnp.concatenate(
        [jnp.sum(h1, axis=0)[None], jnp.sum(h1 * h1, axis=0)[None]], axis=0)

    @pl.when(i == 0)
    def _init():
        st_ref[...] = st

    @pl.when(i > 0)
    def _acc():
        st_ref[...] += st


def _mlp2_body(st_ref, gamma_ref, beta_ref, h1_ref, w2_ref, b2_ref, o_ref):
    mean = st_ref[0, :] / _N
    var = st_ref[1, :] / _N - mean * mean
    scale = gamma_ref[0] * lax.rsqrt(var + 1e-5)
    shift = beta_ref[0] - mean * scale
    h2 = jnp.maximum(h1_ref[...] * scale + shift, 0.0)
    o_ref[...] = lax.dot_general(h2, w2_ref[...], (((1,), (1,)), ((), ())),
                                 preferred_element_type=jnp.float32) + b2_ref[...]


def kernel(x, edge_index, W1, b1, gamma, beta, W2, b2, eps):
    row = edge_index[0]
    col = edge_index[1]
    pad = _EPAD - _E
    trash = _N + (jnp.arange(pad, dtype=jnp.int32) % (_NROWS - _N))
    e0 = 16 * _CA * _CH

    def _split(flat):
        p0 = flat[:e0].reshape(16, _CA, _CH)
        p1 = flat[e0:].reshape(16, _CB, _CH)
        if _CA < _CHUNKS:
            p0 = jnp.concatenate(
                [p0, jnp.zeros((16, _CHUNKS - _CA, _CH), jnp.int32)], axis=1)
        if _CB < _CHUNKS:
            p1 = jnp.concatenate(
                [p1, jnp.zeros((16, _CHUNKS - _CB, _CH), jnp.int32)], axis=1)
        return jnp.concatenate([p0, p1], axis=0)

    row_p = _split(jnp.concatenate([row, jnp.zeros((pad,), jnp.int32)]))
    col_p = _split(jnp.concatenate([col, trash]))

    rx = pl.pallas_call(
        _relu_body,
        grid=(_GRID,),
        in_specs=[pl.BlockSpec((_BLK, _D), lambda i: (i, 0))],
        out_specs=pl.BlockSpec((_BLK, _D), lambda i: (i, 0)),
        out_shape=jax.ShapeDtypeStruct((_N, _D), jnp.float32),
    )(x)

    agg2 = _sc_agg()(rx, row_p, col_p)

    h1, st = pl.pallas_call(
        _mlp1_body,
        grid=(_GRID,),
        in_specs=[
            pl.BlockSpec(memory_space=pltpu.SMEM),
            pl.BlockSpec((_BLK, _D), lambda i: (i, 0)),
            pl.BlockSpec((2, _BLK, _D), lambda i: (0, i, 0)),
            pl.BlockSpec((2 * _D, _D), lambda i: (0, 0)),
            pl.BlockSpec((1, 2 * _D), lambda i: (0, 0)),
        ],
        out_specs=[
            pl.BlockSpec((_BLK, 2 * _D), lambda i: (i, 0)),
            pl.BlockSpec((2, 2 * _D), lambda i: (0, 0)),
        ],
        out_shape=[
            jax.ShapeDtypeStruct((_N, 2 * _D), jnp.float32),
            jax.ShapeDtypeStruct((2, 2 * _D), jnp.float32),
        ],
    )(eps.reshape(1, 1), x, agg2, W1, b1.reshape(1, 2 * _D))

    out = pl.pallas_call(
        _mlp2_body,
        grid=(_GRID,),
        in_specs=[
            pl.BlockSpec((2, 2 * _D), lambda i: (0, 0)),
            pl.BlockSpec((1, 2 * _D), lambda i: (0, 0)),
            pl.BlockSpec((1, 2 * _D), lambda i: (0, 0)),
            pl.BlockSpec((_BLK, 2 * _D), lambda i: (i, 0)),
            pl.BlockSpec((_D, 2 * _D), lambda i: (0, 0)),
            pl.BlockSpec((1, _D), lambda i: (0, 0)),
        ],
        out_specs=pl.BlockSpec((_BLK, _D), lambda i: (i, 0)),
        out_shape=jax.ShapeDtypeStruct((_N, _D), jnp.float32),
    )(st, gamma.reshape(1, 2 * _D), beta.reshape(1, 2 * _D), h1, W2,
      b2.reshape(1, _D))

    return out

# --- scband reference (transcript-rebuilt; emitter-appended) ---
"""Pipeline reference for scband-gnn-60790967108277 (READ-ONLY COPY).

The authoritative reference and input builder live on the scoring server;
editing this copy changes nothing except your own understanding.
"""

import jax, jax.numpy as jnp
import numpy as np

N = 10000
E = 320000
D = 128


def setup_inputs(seed: int = 0) -> dict:
    key = jax.random.key(seed)
    ks = jax.random.split(key, 9)
    x = jax.random.normal(ks[0], (N, D), dtype=jnp.float32)
    edge_index = jax.random.randint(ks[1], (2, E), 0, N, dtype=jnp.int32)
    # GINConvNoEdge parameters: mlp = Linear(D, 2D) -> BatchNorm1d(2D) -> ReLU -> Linear(2D, D); eps scalar
    W1 = jax.random.normal(ks[2], (2 * D, D), dtype=jnp.float32) * (1.0 / np.sqrt(D))
    b1 = jnp.zeros((2 * D,), dtype=jnp.float32)
    gamma = jnp.ones((2 * D,), dtype=jnp.float32)
    beta = jnp.zeros((2 * D,), dtype=jnp.float32)
    W2 = jax.random.normal(ks[3], (D, 2 * D), dtype=jnp.float32) * (1.0 / np.sqrt(2 * D))
    b2 = jnp.zeros((D,), dtype=jnp.float32)
    eps = jnp.zeros((1,), dtype=jnp.float32)
    return {"x": x, "edge_index": edge_index, "W1": W1, "b1": b1, "gamma": gamma, "beta": beta, "W2": W2, "b2": b2, "eps": eps}


def reference(x, edge_index, W1, b1, gamma, beta, W2, b2, eps):
    # message passing: message = relu(x_j) gathered from source nodes,
    # aggregated with sum at target nodes (aggr='add')
    row = edge_index[0]  # source (x_j)
    col = edge_index[1]  # target
    msg = jax.nn.relu(jnp.take(x, row, axis=0))
    agg = jax.ops.segment_sum(msg, col, num_segments=x.shape[0])
    # out = mlp((1 + eps) * x + agg)
    h = (1.0 + eps) * x + agg
    h = h @ W1.T + b1
    # BatchNorm1d in training mode (batch statistics, biased variance)
    mean = jnp.mean(h, axis=0)
    var = jnp.var(h, axis=0)
    h = gamma * (h - mean) / jnp.sqrt(var + 1e-5) + beta
    h = jax.nn.relu(h)
    out = h @ W2.T + b2
    return out

if __name__ == "__main__":
    import jax
    _d = setup_inputs()
    print(jax.jit(kernel)(*tuple(_d.values())))

</pallas_src>

<mosaic_0001>
#map = affine_map<(d0, d1) -> (0, 0)>
#map1 = affine_map<(d0, d1) -> (0, 0, 0)>
module attributes {stable_mosaic.version = 14 : i64} {
  func.func @_sc_body(%arg0: i32, %arg1: i32, %arg2: memref<10000x128xf32, #tpu.memory_space<hbm>>, %arg3: memref<32x128x128xi32, #tpu.memory_space<hbm>>, %arg4: memref<32x128x128xi32, #tpu.memory_space<hbm>>, %arg5: memref<2x10240x128xf32, #tpu.memory_space<hbm>>, %arg6: memref<128x128xi32, #tpu.memory_space<vmem>>, %arg7: memref<128x128xi32, #tpu.memory_space<vmem>>, %arg8: memref<128x128xf32, #tpu.memory_space<vmem>>, %arg9: memref<!tpu.dma_semaphore, #tpu.memory_space<semaphore_mem>>, %arg10: memref<10240x128xf32, #tpu.memory_space<vmem_shared>>) attributes {dimension_semantics = [#tpu.dimension_semantics<core_parallel>, #tpu.dimension_semantics<subcore_parallel>], iteration_bounds = array<i64: 2, 16>, scalar_prefetch = 0 : i64, scratch_operands = 5 : i64, tpu.core_type = #tpu.core_type<sc_vector_subcore>, window_params = [{transform_indices = #map}, {transform_indices = #map1}, {transform_indices = #map1}, {transform_indices = #map1}]} {
    %mul3A = arith.constant 16 : i32
    %mul3A_0 = arith.muli %arg0, %mul3A : i32
    %add3A = arith.addi %mul3A_0, %arg1 : i32
    "tpu.region"() ({
      %run_scoped3A = tpu.sem_alloc : memref<!tpu.dma_semaphore, #tpu.memory_space<semaphore_mem>>
      %dma_start3A = arith.constant 0 : i32
      %dma_start3A_42 = arith.constant 0 : i32
      %dma_start3A_43 = tpu.memref_slice %arg3[%add3A, %dma_start3A, %dma_start3A_42] : memref<32x128x128xi32, #tpu.memory_space<hbm>> -> memref<1x128x128xi32, #tpu.memory_space<hbm>>
      %dma_start3A_44 = tpu.memref_squeeze %dma_start3A_43 : memref<1x128x128xi32, #tpu.memory_space<hbm>> -> memref<128x128xi32, #tpu.memory_space<hbm>>
      %dma_start3A_45 = arith.constant 0 : i32
      %dma_start3A_46 = arith.constant 0 : i32
      %dma_start3A_47 = tpu.memref_slice %arg3[%add3A, %dma_start3A_45, %dma_start3A_46] : memref<32x128x128xi32, #tpu.memory_space<hbm>> -> memref<1x128x128xi32, #tpu.memory_space<hbm>>
      %dma_start3A_48 = tpu.memref_squeeze %dma_start3A_47 : memref<1x128x128xi32, #tpu.memory_space<hbm>> -> memref<128x128xi32, #tpu.memory_space<hbm>>
      tpu.enqueue_dma source(%dma_start3A_48 : memref<128x128xi32, #tpu.memory_space<hbm>>) target(%arg6 : memref<128x128xi32, #tpu.memory_space<vmem>>) target_semaphore(%run_scoped3A : memref<!tpu.dma_semaphore, #tpu.memory_space<semaphore_mem>>)
      %dma_wait3A = arith.constant 0 : i32
      %dma_wait3A_49 = arith.constant 0 : i32
      %dma_wait3A_50 = tpu.memref_slice %arg3[%add3A, %dma_wait3A, %dma_wait3A_49] : memref<32x128x128xi32, #tpu.memory_space<hbm>> -> memref<1x128x128xi32, #tpu.memory_space<hbm>>
      %dma_wait3A_51 = tpu.memref_squeeze %dma_wait3A_50 : memref<1x128x128xi32, #tpu.memory_space<hbm>> -> memref<128x128xi32, #tpu.memory_space<hbm>>
      %dma_wait3A_52 = arith.constant 0 : i32
      %dma_wait3A_53 = arith.constant 0 : i32
      %dma_wait3A_54 = tpu.memref_slice %arg3[%add3A, %dma_wait3A_52, %dma_wait3A_53] : memref<32x128x128xi32, #tpu.memory_space<hbm>> -> memref<1x128x128xi32, #tpu.memory_space<hbm>>
      %dma_wait3A_55 = tpu.memref_squeeze %dma_wait3A_54 : memref<1x128x128xi32, #tpu.memory_space<hbm>> -> memref<128x128xi32, #tpu.memory_space<hbm>>
      tpu.wait_dma2 semaphore(%run_scoped3A : memref<!tpu.dma_semaphore, #tpu.memory_space<semaphore_mem>>) src(%dma_wait3A_55 : memref<128x128xi32, #tpu.memory_space<hbm>>) dst(%arg6 : memref<128x128xi32, #tpu.memory_space<vmem>>)
      tpu.yield
    }) : () -> ()
    "tpu.region"() ({
      %run_scoped3A = tpu.sem_alloc : memref<!tpu.dma_semaphore, #tpu.memory_space<semaphore_mem>>
      %dma_start3A = arith.constant 0 : i32
      %dma_start3A_42 = arith.constant 0 : i32
      %dma_start3A_43 = tpu.memref_slice %arg4[%add3A, %dma_start3A, %dma_start3A_42] : memref<32x128x128xi32, #tpu.memory_space<hbm>> -> memref<1x128x128xi32, #tpu.memory_space<hbm>>
      %dma_start3A_44 = tpu.memref_squeeze %dma_start3A_43 : memref<1x128x128xi32, #tpu.memory_space<hbm>> -> memref<128x128xi32, #tpu.memory_space<hbm>>
      %dma_start3A_45 = arith.constant 0 : i32
      %dma_start3A_46 = arith.constant 0 : i32
      %dma_start3A_47 = tpu.memref_slice %arg4[%add3A, %dma_start3A_45, %dma_start3A_46] : memref<32x128x128xi32, #tpu.memory_space<hbm>> -> memref<1x128x128xi32, #tpu.memory_space<hbm>>
      %dma_start3A_48 = tpu.memref_squeeze %dma_start3A_47 : memref<1x128x128xi32, #tpu.memory_space<hbm>> -> memref<128x128xi32, #tpu.memory_space<hbm>>
      tpu.enqueue_dma source(%dma_start3A_48 : memref<128x128xi32, #tpu.memory_space<hbm>>) target(%arg7 : memref<128x128xi32, #tpu.memory_space<vmem>>) target_semaphore(%run_scoped3A : memref<!tpu.dma_semaphore, #tpu.memory_space<semaphore_mem>>)
      %dma_wait3A = arith.constant 0 : i32
      %dma_wait3A_49 = arith.constant 0 : i32
      %dma_wait3A_50 = tpu.memref_slice %arg4[%add3A, %dma_wait3A, %dma_wait3A_49] : memref<32x128x128xi32, #tpu.memory_space<hbm>> -> memref<1x128x128xi32, #tpu.memory_space<hbm>>
      %dma_wait3A_51 = tpu.memref_squeeze %dma_wait3A_50 : memref<1x128x128xi32, #tpu.memory_space<hbm>> -> memref<128x128xi32, #tpu.memory_space<hbm>>
      %dma_wait3A_52 = arith.constant 0 : i32
      %dma_wait3A_53 = arith.constant 0 : i32
      %dma_wait3A_54 = tpu.memref_slice %arg4[%add3A, %dma_wait3A_52, %dma_wait3A_53] : memref<32x128x128xi32, #tpu.memory_space<hbm>> -> memref<1x128x128xi32, #tpu.memory_space<hbm>>
      %dma_wait3A_55 = tpu.memref_squeeze %dma_wait3A_54 : memref<1x128x128xi32, #tpu.memory_space<hbm>> -> memref<128x128xi32, #tpu.memory_space<hbm>>
      tpu.wait_dma2 semaphore(%run_scoped3A : memref<!tpu.dma_semaphore, #tpu.memory_space<semaphore_mem>>) src(%dma_wait3A_55 : memref<128x128xi32, #tpu.memory_space<hbm>>) dst(%arg7 : memref<128x128xi32, #tpu.memory_space<vmem>>)
      tpu.yield
    }) : () -> ()
    %scan3A = arith.constant 0 : i32
    %scan3A_1 = arith.constant 0 : i32
    %scan3A_2 = arith.constant 128 : i32
    %scan3A_3 = arith.addi %scan3A_1, %scan3A_2 : i32
    %scan3A_4 = arith.constant 1 : i32
    scf.for %scan3A_42 = %scan3A_1 to %scan3A_3 step %scan3A_4  : i32 {
      %broadcast_in_dim3A = arith.constant 0.000000e+00 : f32
      %broadcast_in_dim3A_43 = vector.broadcast %broadcast_in_dim3A : f32 to vector<16xf32>
      %swap3A = arith.index_cast %scan3A_42 : i32 to index
      %swap3A_44 = arith.constant 0 : index
      %swap3A_45 = tpu.vector_load %arg8[%swap3A, %swap3A_44] {strides = array<i32>} : memref<128x128xf32, #tpu.memory_space<vmem>>, vector<1x16xf32>,
      %swap3A_46 = vector.shape_cast %swap3A_45 : vector<1x16xf32> to vector<16xf32>
      %swap3A_47 = vector.shape_cast %broadcast_in_dim3A_43 : vector<16xf32> to vector<1x16xf32>
      tpu.vector_store %arg8[%swap3A, %swap3A_44], %swap3A_47 {strides = array<i32>} : memref<128x128xf32, #tpu.memory_space<vmem>>, vector<1x16xf32>,
      %broadcast_in_dim3A_48 = arith.constant 0.000000e+00 : f32
      %broadcast_in_dim3A_49 = vector.broadcast %broadcast_in_dim3A_48 : f32 to vector<16xf32>
      %swap3A_50 = arith.index_cast %scan3A_42 : i32 to index
      %swap3A_51 = arith.constant 16 : index
      %swap3A_52 = tpu.vector_load %arg8[%swap3A_50, %swap3A_51] {strides = array<i32>} : memref<128x128xf32, #tpu.memory_space<vmem>>, vector<1x16xf32>,
      %swap3A_53 = vector.shape_cast %swap3A_52 : vector<1x16xf32> to vector<16xf32>
      %swap3A_54 = vector.shape_cast %broadcast_in_dim3A_49 : vector<16xf32> to vector<1x16xf32>
      tpu.vector_store %arg8[%swap3A_50, %swap3A_51], %swap3A_54 {strides = array<i32>} : memref<128x128xf32, #tpu.memory_space<vmem>>, vector<1x16xf32>,
      %broadcast_in_dim3A_55 = arith.constant 0.000000e+00 : f32
      %broadcast_in_dim3A_56 = vector.broadcast %broadcast_in_dim3A_55 : f32 to vector<16xf32>
      %swap3A_57 = arith.index_cast %scan3A_42 : i32 to index
      %swap3A_58 = arith.constant 32 : index
      %swap3A_59 = tpu.vector_load %arg8[%swap3A_57, %swap3A_58] {strides = array<i32>} : memref<128x128xf32, #tpu.memory_space<vmem>>, vector<1x16xf32>,
      %swap3A_60 = vector.shape_cast %swap3A_59 : vector<1x16xf32> to vector<16xf32>
      %swap3A_61 = vector.shape_cast %broadcast_in_dim3A_56 : vector<16xf32> to vector<1x16xf32>
      tpu.vector_store %arg8[%swap3A_57, %swap3A_58], %swap3A_61 {strides = array<i32>} : memref<128x128xf32, #tpu.memory_space<vmem>>, vector<1x16xf32>,
      %broadcast_in_dim3A_62 = arith.constant 0.000000e+00 : f32
      %broadcast_in_dim3A_63 = vector.broadcast %broadcast_in_dim3A_62 : f32 to vector<16xf32>
      %swap3A_64 = arith.index_cast %scan3A_42 : i32 to index
      %swap3A_65 = arith.constant 48 : index
      %swap3A_66 = tpu.vector_load %arg8[%swap3A_64, %swap3A_65] {strides = array<i32>} : memref<128x128xf32, #tpu.memory_space<vmem>>, vector<1x16xf32>,
      %swap3A_67 = vector.shape_cast %swap3A_66 : vector<1x16xf32> to vector<16xf32>
      %swap3A_68 = vector.shape_cast %broadcast_in_dim3A_63 : vector<16xf32> to vector<1x16xf32>
      tpu.vector_store %arg8[%swap3A_64, %swap3A_65], %swap3A_68 {strides = array<i32>} : memref<128x128xf32, #tpu.memory_space<vmem>>, vector<1x16xf32>,
      %broadcast_in_dim3A_69 = arith.constant 0.000000e+00 : f32
      %broadcast_in_dim3A_70 = vector.broadcast %broadcast_in_dim3A_69 : f32 to vector<16xf32>
      %swap3A_71 = arith.index_cast %scan3A_42 : i32 to index
      %swap3A_72 = arith.constant 64 : index
      %swap3A_73 = tpu.vector_load %arg8[%swap3A_71, %swap3A_72] {strides = array<i32>} : memref<128x128xf32, #tpu.memory_space<vmem>>, vector<1x16xf32>,
      %swap3A_74 = vector.shape_cast %swap3A_73 : vector<1x16xf32> to vector<16xf32>
      %swap3A_75 = vector.shape_cast %broadcast_in_dim3A_70 : vector<16xf32> to vector<1x16xf32>
      tpu.vector_store %arg8[%swap3A_71, %swap3A_72], %swap3A_75 {strides = array<i32>} : memref<128x128xf32, #tpu.memory_space<vmem>>, vector<1x16xf32>,
      %broadcast_in_dim3A_76 = arith.constant 0.000000e+00 : f32
      %broadcast_in_dim3A_77 = vector.broadcast %broadcast_in_dim3A_76 : f32 to vector<16xf32>
      %swap3A_78 = arith.index_cast %scan3A_42 : i32 to index
      %swap3A_79 = arith.constant 80 : index
      %swap3A_80 = tpu.vector_load %arg8[%swap3A_78, %swap3A_79] {strides = array<i32>} : memref<128x128xf32, #tpu.memory_space<vmem>>, vector<1x16xf32>,
      %swap3A_81 = vector.shape_cast %swap3A_80 : vector<1x16xf32> to vector<16xf32>
      %swap3A_82 = vector.shape_cast %broadcast_in_dim3A_77 : vector<16xf32> to vector<1x16xf32>
      tpu.vector_store %arg8[%swap3A_78, %swap3A_79], %swap3A_82 {strides = array<i32>} : memref<128x128xf32, #tpu.memory_space<vmem>>, vector<1x16xf32>,
      %broadcast_in_dim3A_83 = arith.constant 0.000000e+00 : f32
      %broadcast_in_dim3A_84 = vector.broadcast %broadcast_in_dim3A_83 : f32 to vector<16xf32>
      %swap3A_85 = arith.index_cast %scan3A_42 : i32 to index
      %swap3A_86 = arith.constant 96 : index
      %swap3A_87 = tpu.vector_load %arg8[%swap3A_85, %swap3A_86] {strides = array<i32>} : memref<128x128xf32, #tpu.memory_space<vmem>>, vector<1x16xf32>,
      %swap3A_88 = vector.shape_cast %swap3A_87 : vector<1x16xf32> to vector<16xf32>
      %swap3A_89 = vector.shape_cast %broadcast_in_dim3A_84 : vector<16xf32> to vector<1x16xf32>
      tpu.vector_store %arg8[%swap3A_85, %swap3A_86], %swap3A_89 {strides = array<i32>} : memref<128x128xf32, #tpu.memory_space<vmem>>, vector<1x16xf32>,
      %broadcast_in_dim3A_90 = arith.constant 0.000000e+00 : f32
      %broadcast_in_dim3A_91 = vector.broadcast %broadcast_in_dim3A_90 : f32 to vector<16xf32>
      %swap3A_92 = arith.index_cast %scan3A_42 : i32 to index
      %swap3A_93 = arith.constant 112 : index
      %swap3A_94 = tpu.vector_load %arg8[%swap3A_92, %swap3A_93] {strides = array<i32>} : memref<128x128xf32, #tpu.memory_space<vmem>>, vector<1x16xf32>,
      %swap3A_95 = vector.shape_cast %swap3A_94 : vector<1x16xf32> to vector<16xf32>
      %swap3A_96 = vector.shape_cast %broadcast_in_dim3A_91 : vector<16xf32> to vector<1x16xf32>
      tpu.vector_store %arg8[%swap3A_92, %swap3A_93], %swap3A_96 {strides = array<i32>} : memref<128x128xf32, #tpu.memory_space<vmem>>, vector<1x16xf32>,
    }
    %scan3A_5 = arith.constant 128 : i32
    %mul3A_6 = arith.constant 640 : i32
    %mul3A_7 = arith.muli %arg1, %mul3A_6 : i32
    %add3A_8 = arith.constant 0 : i32
    %add3A_9 = arith.addi %mul3A_7, %add3A_8 : i32
    "tpu.region"() ({
      %run_scoped3A = tpu.sem_alloc : memref<!tpu.dma_semaphore, #tpu.memory_space<semaphore_mem>>
      %dma_start3A = arith.constant 0 : i32
      %dma_start3A_42 = tpu.memref_slice %arg10[%add3A_9, %dma_start3A] : memref<10240x128xf32, #tpu.memory_space<vmem_shared>> -> memref<128x128xf32, #tpu.memory_space<vmem_shared>>
      %dma_start3A_43 = arith.constant 0 : i32
      %dma_start3A_44 = tpu.memref_slice %arg10[%add3A_9, %dma_start3A_43] : memref<10240x128xf32, #tpu.memory_space<vmem_shared>> -> memref<128x128xf32, #tpu.memory_space<vmem_shared>>
      tpu.enqueue_dma source(%arg8 : memref<128x128xf32, #tpu.memory_space<vmem>>) target(%dma_start3A_44 : memref<128x128xf32, #tpu.memory_space<vmem_shared>>) target_semaphore(%run_scoped3A : memref<!tpu.dma_semaphore, #tpu.memory_space<semaphore_mem>>)
      %dma_wait3A = arith.constant 0 : i32
      %dma_wait3A_45 = tpu.memref_slice %arg10[%add3A_9, %dma_wait3A] : memref<10240x128xf32, #tpu.memory_space<vmem_shared>> -> memref<128x128xf32, #tpu.memory_space<vmem_shared>>
      %dma_wait3A_46 = arith.constant 0 : i32
      %dma_wait3A_47 = tpu.memref_slice %arg10[%add3A_9, %dma_wait3A_46] : memref<10240x128xf32, #tpu.memory_space<vmem_shared>> -> memref<128x128xf32, #tpu.memory_space<vmem_shared>>
      tpu.wait_dma2 semaphore(%run_scoped3A : memref<!tpu.dma_semaphore, #tpu.memory_space<semaphore_mem>>) src(%arg8 : memref<128x128xf32, #tpu.memory_space<vmem>>) dst(%dma_wait3A_47 : memref<128x128xf32, #tpu.memory_space<vmem_shared>>)
      tpu.yield
    }) : () -> ()
    %mul3A_10 = arith.constant 640 : i32
    %mul3A_11 = arith.muli %arg1, %mul3A_10 : i32
    %add3A_12 = arith.constant 128 : i32
    %add3A_13 = arith.addi %mul3A_11, %add3A_12 : i32
    "tpu.region"() ({
      %run_scoped3A = tpu.sem_alloc : memref<!tpu.dma_semaphore, #tpu.memory_space<semaphore_mem>>
      %dma_start3A = arith.constant 0 : i32
      %dma_start3A_42 = tpu.memref_slice %arg10[%add3A_13, %dma_start3A] : memref<10240x128xf32, #tpu.memory_space<vmem_shared>> -> memref<128x128xf32, #tpu.memory_space<vmem_shared>>
      %dma_start3A_43 = arith.constant 0 : i32
      %dma_start3A_44 = tpu.memref_slice %arg10[%add3A_13, %dma_start3A_43] : memref<10240x128xf32, #tpu.memory_space<vmem_shared>> -> memref<128x128xf32, #tpu.memory_space<vmem_shared>>
      tpu.enqueue_dma source(%arg8 : memref<128x128xf32, #tpu.memory_space<vmem>>) target(%dma_start3A_44 : memref<128x128xf32, #tpu.memory_space<vmem_shared>>) target_semaphore(%run_scoped3A : memref<!tpu.dma_semaphore, #tpu.memory_space<semaphore_mem>>)
      %dma_wait3A = arith.constant 0 : i32
      %dma_wait3A_45 = tpu.memref_slice %arg10[%add3A_13, %dma_wait3A] : memref<10240x128xf32, #tpu.memory_space<vmem_shared>> -> memref<128x128xf32, #tpu.memory_space<vmem_shared>>
      %dma_wait3A_46 = arith.constant 0 : i32
      %dma_wait3A_47 = tpu.memref_slice %arg10[%add3A_13, %dma_wait3A_46] : memref<10240x128xf32, #tpu.memory_space<vmem_shared>> -> memref<128x128xf32, #tpu.memory_space<vmem_shared>>
      tpu.wait_dma2 semaphore(%run_scoped3A : memref<!tpu.dma_semaphore, #tpu.memory_space<semaphore_mem>>) src(%arg8 : memref<128x128xf32, #tpu.memory_space<vmem>>) dst(%dma_wait3A_47 : memref<128x128xf32, #tpu.memory_space<vmem_shared>>)
      tpu.yield
    }) : () -> ()
    %mul3A_14 = arith.constant 640 : i32
    %mul3A_15 = arith.muli %arg1, %mul3A_14 : i32
    %add3A_16 = arith.constant 256 : i32
    %add3A_17 = arith.addi %mul3A_15, %add3A_16 : i32
    "tpu.region"() ({
      %run_scoped3A = tpu.sem_alloc : memref<!tpu.dma_semaphore, #tpu.memory_space<semaphore_mem>>
      %dma_start3A = arith.constant 0 : i32
      %dma_start3A_42 = tpu.memref_slice %arg10[%add3A_17, %dma_start3A] : memref<10240x128xf32, #tpu.memory_space<vmem_shared>> -> memref<128x128xf32, #tpu.memory_space<vmem_shared>>
      %dma_start3A_43 = arith.constant 0 : i32
      %dma_start3A_44 = tpu.memref_slice %arg10[%add3A_17, %dma_start3A_43] : memref<10240x128xf32, #tpu.memory_space<vmem_shared>> -> memref<128x128xf32, #tpu.memory_space<vmem_shared>>
      tpu.enqueue_dma source(%arg8 : memref<128x128xf32, #tpu.memory_space<vmem>>) target(%dma_start3A_44 : memref<128x128xf32, #tpu.memory_space<vmem_shared>>) target_semaphore(%run_scoped3A : memref<!tpu.dma_semaphore, #tpu.memory_space<semaphore_mem>>)
      %dma_wait3A = arith.constant 0 : i32
      %dma_wait3A_45 = tpu.memref_slice %arg10[%add3A_17, %dma_wait3A] : memref<10240x128xf32, #tpu.memory_space<vmem_shared>> -> memref<128x128xf32, #tpu.memory_space<vmem_shared>>
      %dma_wait3A_46 = arith.constant 0 : i32
      %dma_wait3A_47 = tpu.memref_slice %arg10[%add3A_17, %dma_wait3A_46] : memref<10240x128xf32, #tpu.memory_space<vmem_shared>> -> memref<128x128xf32, #tpu.memory_space<vmem_shared>>
      tpu.wait_dma2 semaphore(%run_scoped3A : memref<!tpu.dma_semaphore, #tpu.memory_space<semaphore_mem>>) src(%arg8 : memref<128x128xf32, #tpu.memory_space<vmem>>) dst(%dma_wait3A_47 : memref<128x128xf32, #tpu.memory_space<vmem_shared>>)
      tpu.yield
    }) : () -> ()
    %mul3A_18 = arith.constant 640 : i32
    %mul3A_19 = arith.muli %arg1, %mul3A_18 : i32
    %add3A_20 = arith.constant 384 : i32
    %add3A_21 = arith.addi %mul3A_19, %add3A_20 : i32
    "tpu.region"() ({
      %run_scoped3A = tpu.sem_alloc : memref<!tpu.dma_semaphore, #tpu.memory_space<semaphore_mem>>
      %dma_start3A = arith.constant 0 : i32
      %dma_start3A_42 = tpu.memref_slice %arg10[%add3A_21, %dma_start3A] : memref<10240x128xf32, #tpu.memory_space<vmem_shared>> -> memref<128x128xf32, #tpu.memory_space<vmem_shared>>
      %dma_start3A_43 = arith.constant 0 : i32
      %dma_start3A_44 = tpu.memref_slice %arg10[%add3A_21, %dma_start3A_43] : memref<10240x128xf32, #tpu.memory_space<vmem_shared>> -> memref<128x128xf32, #tpu.memory_space<vmem_shared>>
      tpu.enqueue_dma source(%arg8 : memref<128x128xf32, #tpu.memory_space<vmem>>) target(%dma_start3A_44 : memref<128x128xf32, #tpu.memory_space<vmem_shared>>) target_semaphore(%run_scoped3A : memref<!tpu.dma_semaphore, #tpu.memory_space<semaphore_mem>>)
      %dma_wait3A = arith.constant 0 : i32
      %dma_wait3A_45 = tpu.memref_slice %arg10[%add3A_21, %dma_wait3A] : memref<10240x128xf32, #tpu.memory_space<vmem_shared>> -> memref<128x128xf32, #tpu.memory_space<vmem_shared>>
      %dma_wait3A_46 = arith.constant 0 : i32
      %dma_wait3A_47 = tpu.memref_slice %arg10[%add3A_21, %dma_wait3A_46] : memref<10240x128xf32, #tpu.memory_space<vmem_shared>> -> memref<128x128xf32, #tpu.memory_space<vmem_shared>>
      tpu.wait_dma2 semaphore(%run_scoped3A : memref<!tpu.dma_semaphore, #tpu.memory_space<semaphore_mem>>) src(%arg8 : memref<128x128xf32, #tpu.memory_space<vmem>>) dst(%dma_wait3A_47 : memref<128x128xf32, #tpu.memory_space<vmem_shared>>)
      tpu.yield
    }) : () -> ()
    %mul3A_22 = arith.constant 640 : i32
    %mul3A_23 = arith.muli %arg1, %mul3A_22 : i32
    %add3A_24 = arith.constant 512 : i32
    %add3A_25 = arith.addi %mul3A_23, %add3A_24 : i32
    "tpu.region"() ({
      %run_scoped3A = tpu.sem_alloc : memref<!tpu.dma_semaphore, #tpu.memory_space<semaphore_mem>>
      %dma_start3A = arith.constant 0 : i32
      %dma_start3A_42 = tpu.memref_slice %arg10[%add3A_25, %dma_start3A] : memref<10240x128xf32, #tpu.memory_space<vmem_shared>> -> memref<128x128xf32, #tpu.memory_space<vmem_shared>>
      %dma_start3A_43 = arith.constant 0 : i32
      %dma_start3A_44 = tpu.memref_slice %arg10[%add3A_25, %dma_start3A_43] : memref<10240x128xf32, #tpu.memory_space<vmem_shared>> -> memref<128x128xf32, #tpu.memory_space<vmem_shared>>
      tpu.enqueue_dma source(%arg8 : memref<128x128xf32, #tpu.memory_space<vmem>>) target(%dma_start3A_44 : memref<128x128xf32, #tpu.memory_space<vmem_shared>>) target_semaphore(%run_scoped3A : memref<!tpu.dma_semaphore, #tpu.memory_space<semaphore_mem>>)
      %dma_wait3A = arith.constant 0 : i32
      %dma_wait3A_45 = tpu.memref_slice %arg10[%add3A_25, %dma_wait3A] : memref<10240x128xf32, #tpu.memory_space<vmem_shared>> -> memref<128x128xf32, #tpu.memory_space<vmem_shared>>
      %dma_wait3A_46 = arith.constant 0 : i32
      %dma_wait3A_47 = tpu.memref_slice %arg10[%add3A_25, %dma_wait3A_46] : memref<10240x128xf32, #tpu.memory_space<vmem_shared>> -> memref<128x128xf32, #tpu.memory_space<vmem_shared>>
      tpu.wait_dma2 semaphore(%run_scoped3A : memref<!tpu.dma_semaphore, #tpu.memory_space<semaphore_mem>>) src(%arg8 : memref<128x128xf32, #tpu.memory_space<vmem>>) dst(%dma_wait3A_47 : memref<128x128xf32, #tpu.memory_space<vmem_shared>>)
      tpu.yield
    }) : () -> ()
    %barrier3A = arith.constant 0 : index
    tpu.barrier barrier_id(%barrier3A)
    %eq3A = arith.constant 0 : i32
    %eq3A_26 = arith.cmpi eq, %arg0, %eq3A : i32
    %jit3A = arith.constant 128 : i32
    %jit3A_27 = arith.constant 30 : i32
    %select_n3A = arith.select %eq3A_26, %jit3A, %jit3A_27 : i32
    %while3A = arith.constant 0 : i32
    %while3A_28 = arith.constant 0 : i32
    %while3A_29 = arith.subi %select_n3A, %while3A_28 : i32
    %while3A_30 = arith.addi %while3A_28, %while3A_29 : i32
    %while3A_31 = arith.constant 1 : i32
    %while3A_32 = arith.divsi %while3A_29, %while3A_31 : i32
    %while3A_33 = arith.muli %while3A_32, %while3A_31 : i32
    %while3A_34 = arith.addi %while3A_28, %while3A_33 : i32
    %while3A_35 = arith.constant 1 : i32
    scf.for %while3A_42 = %while3A_28 to %while3A_34 step %while3A_35  : i32 {
      "tpu.region"() ({
        %run_scoped3A = tpu.sem_alloc : memref<!tpu.dma_semaphore, #tpu.memory_space<semaphore_mem>>
        %dma_start3A = arith.constant 0 : i32
        %dma_start3A_43 = tpu.memref_slice %arg6[%while3A_42, %dma_start3A] : memref<128x128xi32, #tpu.memory_space<vmem>> -> memref<1x128xi32, #tpu.memory_space<vmem>>
        %dma_start3A_44 = tpu.memref_squeeze %dma_start3A_43 : memref<1x128xi32, #tpu.memory_space<vmem>> -> memref<128xi32, #tpu.memory_space<vmem>>
        %dma_start3A_45 = arith.constant 0 : i32
        %dma_start3A_46 = arith.constant 0 : i32
        %dma_start3A_47 = tpu.memref_slice %arg2[%dma_start3A_45, %dma_start3A_46] : memref<10000x128xf32, #tpu.memory_space<hbm>> -> memref<10000x128xf32, #tpu.memory_space<hbm>>
        tpu.enqueue_indirect_dma source(%dma_start3A_47 : memref<10000x128xf32, #tpu.memory_space<hbm>>) target(%arg8 : memref<128x128xf32, #tpu.memory_space<vmem>>) offsets(%dma_start3A_44 : memref<128xi32, #tpu.memory_space<vmem>>) semaphore(%run_scoped3A : memref<!tpu.dma_semaphore, #tpu.memory_space<semaphore_mem>>)
        %dma_wait3A = arith.constant 0 : i32
        %dma_wait3A_48 = tpu.memref_slice %arg6[%while3A_42, %dma_wait3A] : memref<128x128xi32, #tpu.memory_space<vmem>> -> memref<1x128xi32, #tpu.memory_space<vmem>>
        %dma_wait3A_49 = tpu.memref_squeeze %dma_wait3A_48 : memref<1x128xi32, #tpu.memory_space<vmem>> -> memref<128xi32, #tpu.memory_space<vmem>>
        %dma_wait3A_50 = arith.constant 0 : i32
        %dma_wait3A_51 = arith.constant 0 : i32
        %dma_wait3A_52 = tpu.memref_slice %arg2[%dma_wait3A_50, %dma_wait3A_51] : memref<10000x128xf32, #tpu.memory_space<hbm>> -> memref<10000x128xf32, #tpu.memory_space<hbm>>
        tpu.wait_indirect_dma semaphore(%run_scoped3A : memref<!tpu.dma_semaphore, #tpu.memory_space<semaphore_mem>>) src(%dma_wait3A_52 : memref<10000x128xf32, #tpu.memory_space<hbm>>) dst(%arg8 : memref<128x128xf32, #tpu.memory_space<vmem>>)
        tpu.yield
      }) : () -> ()
      "tpu.region"() ({
        %run_scoped3A = tpu.sem_alloc : memref<!tpu.dma_semaphore, #tpu.memory_space<semaphore_mem>>
        %dma_start3A = arith.constant 0 : i32
        %dma_start3A_43 = tpu.memref_slice %arg7[%while3A_42, %dma_start3A] : memref<128x128xi32, #tpu.memory_space<vmem>> -> memref<1x128xi32, #tpu.memory_space<vmem>>
        %dma_start3A_44 = tpu.memref_squeeze %dma_start3A_43 : memref<1x128xi32, #tpu.memory_space<vmem>> -> memref<128xi32, #tpu.memory_space<vmem>>
        %dma_start3A_45 = arith.constant 0 : i32
        %dma_start3A_46 = arith.constant 0 : i32
        %dma_start3A_47 = tpu.memref_slice %arg10[%dma_start3A_45, %dma_start3A_46] : memref<10240x128xf32, #tpu.memory_space<vmem_shared>> -> memref<10240x128xf32, #tpu.memory_space<vmem_shared>>
        tpu.enqueue_indirect_dma source(%arg8 : memref<128x128xf32, #tpu.memory_space<vmem>>) target(%dma_start3A_47 : memref<10240x128xf32, #tpu.memory_space<vmem_shared>>) offsets(%dma_start3A_44 : memref<128xi32, #tpu.memory_space<vmem>>) semaphore(%run_scoped3A : memref<!tpu.dma_semaphore, #tpu.memory_space<semaphore_mem>>) {add = true}
        %dma_wait3A = arith.constant 0 : i32
        %dma_wait3A_48 = tpu.memref_slice %arg7[%while3A_42, %dma_wait3A] : memref<128x128xi32, #tpu.memory_space<vmem>> -> memref<1x128xi32, #tpu.memory_space<vmem>>
        %dma_wait3A_49 = tpu.memref_squeeze %dma_wait3A_48 : memref<1x128xi32, #tpu.memory_space<vmem>> -> memref<128xi32, #tpu.memory_space<vmem>>
        %dma_wait3A_50 = arith.constant 0 : i32
        %dma_wait3A_51 = arith.constant 0 : i32
        %dma_wait3A_52 = tpu.memref_slice %arg10[%dma_wait3A_50, %dma_wait3A_51] : memref<10240x128xf32, #tpu.memory_space<vmem_shared>> -> memref<10240x128xf32, #tpu.memory_space<vmem_shared>>
        tpu.wait_indirect_dma semaphore(%run_scoped3A : memref<!tpu.dma_semaphore, #tpu.memory_space<semaphore_mem>>) src(%arg8 : memref<128x128xf32, #tpu.memory_space<vmem>>) dst(%dma_wait3A_52 : memref<10240x128xf32, #tpu.memory_space<vmem_shared>>)
        tpu.yield
      }) : () -> ()
    }
    %while3A_36 = arith.constant 1 : i32
    scf.for %while3A_42 = %while3A_34 to %while3A_30 step %while3A_36  : i32 {
      "tpu.region"() ({
        %run_scoped3A = tpu.sem_alloc : memref<!tpu.dma_semaphore, #tpu.memory_space<semaphore_mem>>
        %dma_start3A = arith.constant 0 : i32
        %dma_start3A_43 = tpu.memref_slice %arg6[%while3A_42, %dma_start3A] : memref<128x128xi32, #tpu.memory_space<vmem>> -> memref<1x128xi32, #tpu.memory_space<vmem>>
        %dma_start3A_44 = tpu.memref_squeeze %dma_start3A_43 : memref<1x128xi32, #tpu.memory_space<vmem>> -> memref<128xi32, #tpu.memory_space<vmem>>
        %dma_start3A_45 = arith.constant 0 : i32
        %dma_start3A_46 = arith.constant 0 : i32
        %dma_start3A_47 = tpu.memref_slice %arg2[%dma_start3A_45, %dma_start3A_46] : memref<10000x128xf32, #tpu.memory_space<hbm>> -> memref<10000x128xf32, #tpu.memory_space<hbm>>
        tpu.enqueue_indirect_dma source(%dma_start3A_47 : memref<10000x128xf32, #tpu.memory_space<hbm>>) target(%arg8 : memref<128x128xf32, #tpu.memory_space<vmem>>) offsets(%dma_start3A_44 : memref<128xi32, #tpu.memory_space<vmem>>) semaphore(%run_scoped3A : memref<!tpu.dma_semaphore, #tpu.memory_space<semaphore_mem>>)
        %dma_wait3A = arith.constant 0 : i32
        %dma_wait3A_48 = tpu.memref_slice %arg6[%while3A_42, %dma_wait3A] : memref<128x128xi32, #tpu.memory_space<vmem>> -> memref<1x128xi32, #tpu.memory_space<vmem>>
        %dma_wait3A_49 = tpu.memref_squeeze %dma_wait3A_48 : memref<1x128xi32, #tpu.memory_space<vmem>> -> memref<128xi32, #tpu.memory_space<vmem>>
        %dma_wait3A_50 = arith.constant 0 : i32
        %dma_wait3A_51 = arith.constant 0 : i32
        %dma_wait3A_52 = tpu.memref_slice %arg2[%dma_wait3A_50, %dma_wait3A_51] : memref<10000x128xf32, #tpu.memory_space<hbm>> -> memref<10000x128xf32, #tpu.memory_space<hbm>>
        tpu.wait_indirect_dma semaphore(%run_scoped3A : memref<!tpu.dma_semaphore, #tpu.memory_space<semaphore_mem>>) src(%dma_wait3A_52 : memref<10000x128xf32, #tpu.memory_space<hbm>>) dst(%arg8 : memref<128x128xf32, #tpu.memory_space<vmem>>)
        tpu.yield
      }) : () -> ()
      "tpu.region"() ({
        %run_scoped3A = tpu.sem_alloc : memref<!tpu.dma_semaphore, #tpu.memory_space<semaphore_mem>>
        %dma_start3A = arith.constant 0 : i32
        %dma_start3A_43 = tpu.memref_slice %arg7[%while3A_42, %dma_start3A] : memref<128x128xi32, #tpu.memory_space<vmem>> -> memref<1x128xi32, #tpu.memory_space<vmem>>
        %dma_start3A_44 = tpu.memref_squeeze %dma_start3A_43 : memref<1x128xi32, #tpu.memory_space<vmem>> -> memref<128xi32, #tpu.memory_space<vmem>>
        %dma_start3A_45 = arith.constant 0 : i32
        %dma_start3A_46 = arith.constant 0 : i32
        %dma_start3A_47 = tpu.memref_slice %arg10[%dma_start3A_45, %dma_start3A_46] : memref<10240x128xf32, #tpu.memory_space<vmem_shared>> -> memref<10240x128xf32, #tpu.memory_space<vmem_shared>>
        tpu.enqueue_indirect_dma source(%arg8 : memref<128x128xf32, #tpu.memory_space<vmem>>) target(%dma_start3A_47 : memref<10240x128xf32, #tpu.memory_space<vmem_shared>>) offsets(%dma_start3A_44 : memref<128xi32, #tpu.memory_space<vmem>>) semaphore(%run_scoped3A : memref<!tpu.dma_semaphore, #tpu.memory_space<semaphore_mem>>) {add = true}
        %dma_wait3A = arith.constant 0 : i32
        %dma_wait3A_48 = tpu.memref_slice %arg7[%while3A_42, %dma_wait3A] : memref<128x128xi32, #tpu.memory_space<vmem>> -> memref<1x128xi32, #tpu.memory_space<vmem>>
        %dma_wait3A_49 = tpu.memref_squeeze %dma_wait3A_48 : memref<1x128xi32, #tpu.memory_space<vmem>> -> memref<128xi32, #tpu.memory_space<vmem>>
        %dma_wait3A_50 = arith.constant 0 : i32
        %dma_wait3A_51 = arith.constant 0 : i32
        %dma_wait3A_52 = tpu.memref_slice %arg10[%dma_wait3A_50, %dma_wait3A_51] : memref<10240x128xf32, #tpu.memory_space<vmem_shared>> -> memref<10240x128xf32, #tpu.memory_space<vmem_shared>>
        tpu.wait_indirect_dma semaphore(%run_scoped3A : memref<!tpu.dma_semaphore, #tpu.memory_space<semaphore_mem>>) src(%arg8 : memref<128x128xf32, #tpu.memory_space<vmem>>) dst(%dma_wait3A_52 : memref<10240x128xf32, #tpu.memory_space<vmem_shared>>)
        tpu.yield
      }) : () -> ()
    }
    %barrier3A_37 = arith.constant 0 : index
    tpu.barrier barrier_id(%barrier3A_37)
    %mul3A_38 = arith.constant 640 : i32
    %mul3A_39 = arith.muli %arg1, %mul3A_38 : i32
    %mul3A_40 = arith.constant 640 : i32
    %mul3A_41 = arith.muli %arg1, %mul3A_40 : i32
    "tpu.region"() ({
      %run_scoped3A = tpu.sem_alloc : memref<!tpu.dma_semaphore, #tpu.memory_space<semaphore_mem>>
      %dma_start3A = arith.constant 0 : i32
      %dma_start3A_42 = tpu.memref_slice %arg5[%arg0, %mul3A_41, %dma_start3A] : memref<2x10240x128xf32, #tpu.memory_space<hbm>> -> memref<1x640x128xf32, #tpu.memory_space<hbm>>
      %dma_start3A_43 = tpu.memref_squeeze %dma_start3A_42 : memref<1x640x128xf32, #tpu.memory_space<hbm>> -> memref<640x128xf32, #tpu.memory_space<hbm>>
      %dma_start3A_44 = arith.constant 0 : i32
      %dma_start3A_45 = tpu.memref_slice %arg10[%mul3A_39, %dma_start3A_44] : memref<10240x128xf32, #tpu.memory_space<vmem_shared>> -> memref<640x128xf32, #tpu.memory_space<vmem_shared>>
      tpu.enqueue_dma source(%dma_start3A_45 : memref<640x128xf32, #tpu.memory_space<vmem_shared>>) target(%dma_start3A_43 : memref<640x128xf32, #tpu.memory_space<hbm>>) target_semaphore(%run_scoped3A : memref<!tpu.dma_semaphore, #tpu.memory_space<semaphore_mem>>)
      %dma_wait3A = arith.constant 0 : i32
      %dma_wait3A_46 = tpu.memref_slice %arg5[%arg0, %mul3A_41, %dma_wait3A] : memref<2x10240x128xf32, #tpu.memory_space<hbm>> -> memref<1x640x128xf32, #tpu.memory_space<hbm>>
      %dma_wait3A_47 = tpu.memref_squeeze %dma_wait3A_46 : memref<1x640x128xf32, #tpu.memory_space<hbm>> -> memref<640x128xf32, #tpu.memory_space<hbm>>
      %dma_wait3A_48 = arith.constant 0 : i32
      %dma_wait3A_49 = tpu.memref_slice %arg10[%mul3A_39, %dma_wait3A_48] : memref<10240x128xf32, #tpu.memory_space<vmem_shared>> -> memref<640x128xf32, #tpu.memory_space<vmem_shared>>
      tpu.wait_dma2 semaphore(%run_scoped3A : memref<!tpu.dma_semaphore, #tpu.memory_space<semaphore_mem>>) src(%dma_wait3A_49 : memref<640x128xf32, #tpu.memory_space<vmem_shared>>) dst(%dma_wait3A_47 : memref<640x128xf32, #tpu.memory_space<hbm>>)
      tpu.yield
    }) : () -> ()
    return
  }
}

module attributes {stable_mosaic.version = 14 : i64} {
  func.func @_relu_body(%arg0: i32, %arg1: memref<1000x128xf32, #tpu.memory_space<vmem>>, %arg2: memref<1000x128xf32, #tpu.memory_space<vmem>>) attributes {dimension_semantics = [#tpu.dimension_semantics<arbitrary>], iteration_bounds = array<i64: 10>, scalar_prefetch = 0 : i64, scratch_operands = 0 : i64, tpu.core_type = #tpu.core_type<tc>, window_params = [{transform_indices = @transform_0, window_bounds = array<i64: 1000, 128>}, {transform_indices = @transform_1, window_bounds = array<i64: 1000, 128>}]} {
    %get3A = arith.constant 0 : index
    %get3A_0 = arith.constant 0 : index
    %get3A_1 = vector.load %arg1[%get3A, %get3A_0] : memref<1000x128xf32, #tpu.memory_space<vmem>>, vector<1000x128xf32>
    %max3A = arith.constant 0.000000e+00 : f32
    %max3A_2 = vector.broadcast %max3A : f32 to vector<1000x128xf32>
    %max3A_3 = arith.maximumf %get3A_1, %max3A_2 : vector<1000x128xf32>
    %swap3A = arith.constant 0 : index
    %swap3A_4 = arith.constant 0 : index
    %swap3A_5 = vector.load %arg2[%swap3A, %swap3A_4] : memref<1000x128xf32, #tpu.memory_space<vmem>>, vector<1000x128xf32>
    tpu.vector_store %arg2[%swap3A, %swap3A_4], %max3A_3 {strides = array<i32>} : memref<1000x128xf32, #tpu.memory_space<vmem>>, vector<1000x128xf32>,
    return
  }
  func.func @transform_0(%arg0: i32) -> (i32, i32) {
    %c0_i32 = arith.constant 0 : i32
    %c0_i32_0 = arith.constant 0 : i32
    return %arg0, %c0_i32 : i32, i32
  }
  func.func @transform_1(%arg0: i32) -> (i32, i32) {
    %c0_i32 = arith.constant 0 : i32
    %c0_i32_0 = arith.constant 0 : i32
    return %arg0, %c0_i32 : i32, i32
  }
}

module attributes {stable_mosaic.version = 14 : i64} {
  func.func @_mlp1_body(%arg0: i32, %arg1: memref<1x1xf32, #tpu.memory_space<smem>>, %arg2: memref<1000x128xf32, #tpu.memory_space<vmem>>, %arg3: memref<2x1000x128xf32, #tpu.memory_space<vmem>>, %arg4: memref<256x128xf32, #tpu.memory_space<vmem>>, %arg5: memref<1x256xf32, #tpu.memory_space<vmem>>, %arg6: memref<1000x256xf32, #tpu.memory_space<vmem>>, %arg7: memref<2x256xf32, #tpu.memory_space<vmem>>) attributes {dimension_semantics = [#tpu.dimension_semantics<arbitrary>], iteration_bounds = array<i64: 10>, scalar_prefetch = 0 : i64, scratch_operands = 0 : i64, tpu.core_type = #tpu.core_type<tc>, window_params = [{transform_indices = @transform_0, window_bounds = array<i64: 1, 1>}, {transform_indices = @transform_1, window_bounds = array<i64: 1000, 128>}, {transform_indices = @transform_2, window_bounds = array<i64: 2, 1000, 128>}, {pipeline_mode = #tpu.pipeline_mode<synchronous>, transform_indices = @transform_3, window_bounds = array<i64: 256, 128>}, {pipeline_mode = #tpu.pipeline_mode<synchronous>, transform_indices = @transform_4, window_bounds = array<i64: 1, 256>}, {transform_indices = @transform_5, window_bounds = array<i64: 1000, 256>}, {pipeline_mode = #tpu.pipeline_mode<synchronous>, transform_indices = @transform_6, window_bounds = array<i64: 2, 256>}]} {
    %get3A = arith.constant 0 : index
    %get3A_0 = arith.constant 0 : index
    %get3A_1 = memref.load %arg1[%get3A, %get3A_0] : memref<1x1xf32, #tpu.memory_space<smem>>
    %add3A = arith.constant 1.000000e+00 : f32
    %add3A_2 = arith.addf %add3A, %get3A_1 : f32
    %get3A_3 = arith.constant 0 : index
    %get3A_4 = arith.constant 0 : index
    %get3A_5 = vector.load %arg2[%get3A_3, %get3A_4] : memref<1000x128xf32, #tpu.memory_space<vmem>>, vector<1000x128xf32>
    %mul3A = vector.broadcast %add3A_2 : f32 to vector<1000x128xf32>
    %mul3A_6 = arith.mulf %mul3A, %get3A_5 : vector<1000x128xf32>
    %get3A_7 = arith.constant 0 : index
    %get3A_8 = arith.constant 0 : index
    %get3A_9 = arith.constant 0 : index
    %get3A_10 = vector.load %arg3[%get3A_7, %get3A_8, %get3A_9] : memref<2x1000x128xf32, #tpu.memory_space<vmem>>, vector<1x1000x128xf32>
    %get3A_11 = vector.shape_cast %get3A_10 : vector<1x1000x128xf32> to vector<1000x128xf32>
    %add3A_12 = arith.addf %mul3A_6, %get3A_11 : vector<1000x128xf32>
    %get3A_13 = arith.constant 1 : index
    %get3A_14 = arith.constant 0 : index
    %get3A_15 = arith.constant 0 : index
    %get3A_16 = vector.load %arg3[%get3A_13, %get3A_14, %get3A_15] : memref<2x1000x128xf32, #tpu.memory_space<vmem>>, vector<1x1000x128xf32>
    %get3A_17 = vector.shape_cast %get3A_16 : vector<1x1000x128xf32> to vector<1000x128xf32>
    %add3A_18 = arith.addf %add3A_12, %get3A_17 : vector<1000x128xf32>
    %get3A_19 = arith.constant 0 : index
    %get3A_20 = arith.constant 0 : index
    %get3A_21 = vector.load %arg4[%get3A_19, %get3A_20] : memref<256x128xf32, #tpu.memory_space<vmem>>, vector<256x128xf32>
    %dot_general3A = arith.constant dense<0.000000e+00> : vector<1000x256xf32>
    %dot_general3A_22 = tpu.matmul %add3A_18, %get3A_21, %dot_general3A {dimension_numbers = #tpu.dot_dimension_numbers<[1], [1], [0], [0], [0, 0, 1, 0], [], []>, transpose_lhs_hint = false} : vector<1000x128xf32>, vector<256x128xf32>, vector<1000x256xf32> -> vector<1000x256xf32>
    %get3A_23 = arith.constant 0 : index
    %get3A_24 = arith.constant 0 : index
    %get3A_25 = vector.load %arg5[%get3A_23, %get3A_24] : memref<1x256xf32, #tpu.memory_space<vmem>>, vector<1x256xf32>
    %add3A_26 = vector.broadcast %get3A_25 : vector<1x256xf32> to vector<1000x256xf32>
    %add3A_27 = arith.addf %dot_general3A_22, %add3A_26 : vector<1000x256xf32>
    %swap3A = arith.constant 0 : index
    %swap3A_28 = arith.constant 0 : index
    %swap3A_29 = vector.load %arg6[%swap3A, %swap3A_28] : memref<1000x256xf32, #tpu.memory_space<vmem>>, vector<1000x256xf32>
    tpu.vector_store %arg6[%swap3A, %swap3A_28], %add3A_27 {strides = array<i32>} : memref<1000x256xf32, #tpu.memory_space<vmem>>, vector<1000x256xf32>,
    %reduce_sum3A = arith.constant dense<0.000000e+00> : vector<256xf32>
    %reduce_sum3A_30 = vector.multi_reduction <add>, %add3A_27, %reduce_sum3A [0] : vector<1000x256xf32> to vector<256xf32>
    %broadcast_in_dim3A = vector.shape_cast %reduce_sum3A_30 : vector<256xf32> to vector<1x256xf32>
    %mul3A_31 = arith.mulf %add3A_27, %add3A_27 : vector<1000x256xf32>
    %reduce_sum3A_32 = arith.constant dense<0.000000e+00> : vector<256xf32>
    %reduce_sum3A_33 = vector.multi_reduction <add>, %mul3A_31, %reduce_sum3A_32 [0] : vector<1000x256xf32> to vector<256xf32>
    %broadcast_in_dim3A_34 = vector.shape_cast %reduce_sum3A_33 : vector<256xf32> to vector<1x256xf32>
    %concatenate3A = tpu.concatenate %broadcast_in_dim3A, %broadcast_in_dim3A_34 in 0 : vector<1x256xf32>, vector<1x256xf32> -> vector<2x256xf32>
    %eq3A = arith.constant 0 : i32
    %eq3A_35 = arith.cmpi eq, %arg0, %eq3A : i32
    %convert_element_type3A = arith.extui %eq3A_35 : i1 to i32
    %cond3A = arith.constant 0 : i32
    %cond3A_36 = arith.cmpi ne, %convert_element_type3A, %cond3A : i32
    scf.if %cond3A_36 {
      %swap3A_41 = arith.constant 0 : index
      %swap3A_42 = arith.constant 0 : index
      %swap3A_43 = vector.load %arg7[%swap3A_41, %swap3A_42] : memref<2x256xf32, #tpu.memory_space<vmem>>, vector<2x256xf32>
      tpu.vector_store %arg7[%swap3A_41, %swap3A_42], %concatenate3A {strides = array<i32>} : memref<2x256xf32, #tpu.memory_space<vmem>>, vector<2x256xf32>,
    } else {
    }
    %gt3A = arith.constant 0 : i32
    %gt3A_37 = arith.cmpi sgt, %arg0, %gt3A : i32
    %convert_element_type3A_38 = arith.extui %gt3A_37 : i1 to i32
    %cond3A_39 = arith.constant 0 : i32
    %cond3A_40 = arith.cmpi ne, %convert_element_type3A_38, %cond3A_39 : i32
    scf.if %cond3A_40 {
      %get3A_41 = arith.constant 0 : index
      %get3A_42 = arith.constant 0 : index
      %get3A_43 = vector.load %arg7[%get3A_41, %get3A_42] : memref<2x256xf32, #tpu.memory_space<vmem>>, vector<2x256xf32>
      %add3A_44 = arith.addf %get3A_43, %concatenate3A : vector<2x256xf32>
      %swap3A_45 = arith.constant 0 : index
      %swap3A_46 = arith.constant 0 : index
      %swap3A_47 = vector.load %arg7[%swap3A_45, %swap3A_46] : memref<2x256xf32, #tpu.memory_space<vmem>>, vector<2x256xf32>
      tpu.vector_store %arg7[%swap3A_45, %swap3A_46], %add3A_44 {strides = array<i32>} : memref<2x256xf32, #tpu.memory_space<vmem>>, vector<2x256xf32>,
    } else {
    }
    return
  }
  func.func @transform_0(%arg0: i32) -> (i32, i32) {
    %c0_i32 = arith.constant 0 : i32
    %c0_i32_0 = arith.constant 0 : i32
    %c0_i32_1 = arith.constant 0 : i32
    return %c0_i32, %c0_i32_0 : i32, i32
  }
  func.func @transform_1(%arg0: i32) -> (i32, i32) {
    %c0_i32 = arith.constant 0 : i32
    %c0_i32_0 = arith.constant 0 : i32
    return %arg0, %c0_i32 : i32, i32
  }
  func.func @transform_2(%arg0: i32) -> (i32, i32, i32) {
    %c0_i32 = arith.constant 0 : i32
    %c0_i32_0 = arith.constant 0 : i32
    %c0_i32_1 = arith.constant 0 : i32
    return %c0_i32, %arg0, %c0_i32_0 : i32, i32, i32
  }
  func.func @transform_3(%arg0: i32) -> (i32, i32) {
    %c0_i32 = arith.constant 0 : i32
    %c0_i32_0 = arith.constant 0 : i32
    %c0_i32_1 = arith.constant 0 : i32
    return %c0_i32, %c0_i32_0 : i32, i32
  }
  func.func @transform_4(%arg0: i32) -> (i32, i32) {
    %c0_i32 = arith.constant 0 : i32
    %c0_i32_0 = arith.constant 0 : i32
    %c0_i32_1 = arith.constant 0 : i32
    return %c0_i32, %c0_i32_0 : i32, i32
  }
  func.func @transform_5(%arg0: i32) -> (i32, i32) {
    %c0_i32 = arith.constant 0 : i32
    %c0_i32_0 = arith.constant 0 : i32
    return %arg0, %c0_i32 : i32, i32
  }
  func.func @transform_6(%arg0: i32) -> (i32, i32) {
    %c0_i32 = arith.constant 0 : i32
    %c0_i32_0 = arith.constant 0 : i32
    %c0_i32_1 = arith.constant 0 : i32
    return %c0_i32, %c0_i32_0 : i32, i32
  }
}

module attributes {stable_mosaic.version = 14 : i64} {
  func.func @_mlp2_body(%arg0: i32, %arg1: memref<2x256xf32, #tpu.memory_space<vmem>>, %arg2: memref<1x256xf32, #tpu.memory_space<vmem>>, %arg3: memref<1x256xf32, #tpu.memory_space<vmem>>, %arg4: memref<1000x256xf32, #tpu.memory_space<vmem>>, %arg5: memref<128x256xf32, #tpu.memory_space<vmem>>, %arg6: memref<1x128xf32, #tpu.memory_space<vmem>>, %arg7: memref<1000x128xf32, #tpu.memory_space<vmem>>) attributes {dimension_semantics = [#tpu.dimension_semantics<arbitrary>], iteration_bounds = array<i64: 10>, scalar_prefetch = 0 : i64, scratch_operands = 0 : i64, tpu.core_type = #tpu.core_type<tc>, window_params = [{pipeline_mode = #tpu.pipeline_mode<synchronous>, transform_indices = @transform_0, window_bounds = array<i64: 2, 256>}, {pipeline_mode = #tpu.pipeline_mode<synchronous>, transform_indices = @transform_1, window_bounds = array<i64: 1, 256>}, {pipeline_mode = #tpu.pipeline_mode<synchronous>, transform_indices = @transform_2, window_bounds = array<i64: 1, 256>}, {transform_indices = @transform_3, window_bounds = array<i64: 1000, 256>}, {pipeline_mode = #tpu.pipeline_mode<synchronous>, transform_indices = @transform_4, window_bounds = array<i64: 128, 256>}, {pipeline_mode = #tpu.pipeline_mode<synchronous>, transform_indices = @transform_5, window_bounds = array<i64: 1, 128>}, {transform_indices = @transform_6, window_bounds = array<i64: 1000, 128>}]} {
    %get3A = arith.constant 0 : index
    %get3A_0 = arith.constant 0 : index
    %get3A_1 = vector.load %arg1[%get3A, %get3A_0] : memref<2x256xf32, #tpu.memory_space<vmem>>, vector<1x256xf32>
    %get3A_2 = vector.shape_cast %get3A_1 : vector<1x256xf32> to vector<256xf32>
    %div3A = arith.constant 1.000000e+04 : f32
    %div3A_3 = vector.broadcast %div3A : f32 to vector<256xf32>
    %div3A_4 = arith.divf %get3A_2, %div3A_3 : vector<256xf32>
    %get3A_5 = arith.constant 1 : index
    %get3A_6 = arith.constant 0 : index
    %get3A_7 = vector.load %arg1[%get3A_5, %get3A_6] : memref<2x256xf32, #tpu.memory_space<vmem>>, vector<1x256xf32>
    %get3A_8 = vector.shape_cast %get3A_7 : vector<1x256xf32> to vector<256xf32>
    %div3A_9 = arith.constant 1.000000e+04 : f32
    %div3A_10 = vector.broadcast %div3A_9 : f32 to vector<256xf32>
    %div3A_11 = arith.divf %get3A_8, %div3A_10 : vector<256xf32>
    %mul3A = arith.mulf %div3A_4, %div3A_4 : vector<256xf32>
    %sub3A = arith.subf %div3A_11, %mul3A : vector<256xf32>
    %get3A_12 = arith.constant 0 : index
    %get3A_13 = arith.constant 0 : index
    %get3A_14 = vector.load %arg2[%get3A_12, %get3A_13] : memref<1x256xf32, #tpu.memory_space<vmem>>, vector<1x256xf32>
    %get3A_15 = vector.shape_cast %get3A_14 : vector<1x256xf32> to vector<256xf32>
    %add3A = arith.constant 9.99999974E-6 : f32
    %add3A_16 = vector.broadcast %add3A : f32 to vector<256xf32>
    %add3A_17 = arith.addf %sub3A, %add3A_16 : vector<256xf32>
    %rsqrt3A = math.rsqrt %add3A_17 : vector<256xf32>
    %mul3A_18 = arith.mulf %get3A_15, %rsqrt3A : vector<256xf32>
    %get3A_19 = arith.constant 0 : index
    %get3A_20 = arith.constant 0 : index
    %get3A_21 = vector.load %arg3[%get3A_19, %get3A_20] : memref<1x256xf32, #tpu.memory_space<vmem>>, vector<1x256xf32>
    %get3A_22 = vector.shape_cast %get3A_21 : vector<1x256xf32> to vector<256xf32>
    %mul3A_23 = arith.mulf %div3A_4, %mul3A_18 : vector<256xf32>
    %sub3A_24 = arith.subf %get3A_22, %mul3A_23 : vector<256xf32>
    %get3A_25 = arith.constant 0 : index
    %get3A_26 = arith.constant 0 : index
    %get3A_27 = vector.load %arg4[%get3A_25, %get3A_26] : memref<1000x256xf32, #tpu.memory_space<vmem>>, vector<1000x256xf32>
    %broadcast_in_dim3A = vector.shape_cast %mul3A_18 : vector<256xf32> to vector<1x256xf32>
    %mul3A_28 = vector.broadcast %broadcast_in_dim3A : vector<1x256xf32> to vector<1000x256xf32>
    %mul3A_29 = arith.mulf %get3A_27, %mul3A_28 : vector<1000x256xf32>
    %broadcast_in_dim3A_30 = vector.shape_cast %sub3A_24 : vector<256xf32> to vector<1x256xf32>
    %add3A_31 = vector.broadcast %broadcast_in_dim3A_30 : vector<1x256xf32> to vector<1000x256xf32>
    %add3A_32 = arith.addf %mul3A_29, %add3A_31 : vector<1000x256xf32>
    %max3A = arith.constant 0.000000e+00 : f32
    %max3A_33 = vector.broadcast %max3A : f32 to vector<1000x256xf32>
    %max3A_34 = arith.maximumf %add3A_32, %max3A_33 : vector<1000x256xf32>
    %get3A_35 = arith.constant 0 : index
    %get3A_36 = arith.constant 0 : index
    %get3A_37 = vector.load %arg5[%get3A_35, %get3A_36] : memref<128x256xf32, #tpu.memory_space<vmem>>, vector<128x256xf32>
    %dot_general3A = arith.constant dense<0.000000e+00> : vector<1000x128xf32>
    %dot_general3A_38 = tpu.matmul %max3A_34, %get3A_37, %dot_general3A {dimension_numbers = #tpu.dot_dimension_numbers<[1], [1], [0], [0], [0, 0, 1, 0], [], []>, transpose_lhs_hint = false} : vector<1000x256xf32>, vector<128x256xf32>, vector<1000x128xf32> -> vector<1000x128xf32>
    %get3A_39 = arith.constant 0 : index
    %get3A_40 = arith.constant 0 : index
    %get3A_41 = vector.load %arg6[%get3A_39, %get3A_40] : memref<1x128xf32, #tpu.memory_space<vmem>>, vector<1x128xf32>
    %add3A_42 = vector.broadcast %get3A_41 : vector<1x128xf32> to vector<1000x128xf32>
    %add3A_43 = arith.addf %dot_general3A_38, %add3A_42 : vector<1000x128xf32>
    %swap3A = arith.constant 0 : index
    %swap3A_44 = arith.constant 0 : index
    %swap3A_45 = vector.load %arg7[%swap3A, %swap3A_44] : memref<1000x128xf32, #tpu.memory_space<vmem>>, vector<1000x128xf32>
    tpu.vector_store %arg7[%swap3A, %swap3A_44], %add3A_43 {strides = array<i32>} : memref<1000x128xf32, #tpu.memory_space<vmem>>, vector<1000x128xf32>,
    return
  }
  func.func @transform_0(%arg0: i32) -> (i32, i32) {
    %c0_i32 = arith.constant 0 : i32
    %c0_i32_0 = arith.constant 0 : i32
    %c0_i32_1 = arith.constant 0 : i32
    return %c0_i32, %c0_i32_0 : i32, i32
  }
  func.func @transform_1(%arg0: i32) -> (i32, i32) {
    %c0_i32 = arith.constant 0 : i32
    %c0_i32_0 = arith.constant 0 : i32
    %c0_i32_1 = arith.constant 0 : i32
    return %c0_i32, %c0_i32_0 : i32, i32
  }
  func.func @transform_2(%arg0: i32) -> (i32, i32) {
    %c0_i32 = arith.constant 0 : i32
    %c0_i32_0 = arith.constant 0 : i32
    %c0_i32_1 = arith.constant 0 : i32
    return %c0_i32, %c0_i32_0 : i32, i32
  }
  func.func @transform_3(%arg0: i32) -> (i32, i32) {
    %c0_i32 = arith.constant 0 : i32
    %c0_i32_0 = arith.constant 0 : i32
    return %arg0, %c0_i32 : i32, i32
  }
  func.func @transform_4(%arg0: i32) -> (i32, i32) {
    %c0_i32 = arith.constant 0 : i32
    %c0_i32_0 = arith.constant 0 : i32
    %c0_i32_1 = arith.constant 0 : i32
    return %c0_i32, %c0_i32_0 : i32, i32
  }
  func.func @transform_5(%arg0: i32) -> (i32, i32) {
    %c0_i32 = arith.constant 0 : i32
    %c0_i32_0 = arith.constant 0 : i32
    %c0_i32_1 = arith.constant 0 : i32
    return %c0_i32, %c0_i32_0 : i32, i32
  }
  func.func @transform_6(%arg0: i32) -> (i32, i32) {
    %c0_i32 = arith.constant 0 : i32
    %c0_i32_0 = arith.constant 0 : i32
    return %arg0, %c0_i32 : i32, i32
  }
}

</mosaic_0001>

<sc_bundles>
// kernel: kernel.6.cloned.1.call-start
scs
__scs_entry_jumppad:
0x0: {  	(pc) =	sbr.rel $0x88, $3  }
0x1: {  	(tag) =	ssettag $0x0;
	lr =	simm.s32 $0x1  }
0x2: {  	[smem:$0x3F98] =	sst lr;
	_ =	strace $0xD0000000  }
0x3: {  	_ = 	snop  }
0x4: {  	_ = 	snop  }
0x5: {  	_ = 	snop  }
0x6: {  	_ = 	snop  }
0x7: {  	_ = 	snop  }
__scs_overlays_trampoline_lowered:
0x8: {  	[smem:$0x3FA7] =	sst s0  }
0x9: {  	[smem:$0x3FA8] =	sst s1  }
0xa: {  	[smem:$0x3FA9] =	sst s2  }
0xb: {  	[smem:$0x3FAA] =	sst s3  }
0xc: {  	[smem:$0x3FAB] =	sst s4  }
0xd: {  	[smem:$0x3FAC] =	sst s5  }
0xe: {  	[smem:$0x3FAD] =	sst s6  }
0xf: {  	[smem:$0x3FAE] =	sst s7  }
0x10: {  	[smem:$0x3FAF] =	sst s8  }
0x11: {  	[smem:$0x3FB0] =	sst s9;
	s0 =	simm.s32 @!p0 $0x0  }
0x12: {  	s1 =	sld [smem:$0x3F96];
	s0 =	simm.s32 @p0 $0x1  }
0x13: {  	[smem:$0x3FB1] =	sst s0;
	s0 =	simm.s32 @!p1 $0x0  }
0x14: {  	s2 =	sld [smem:$0x3F95];
	s0 =	simm.s32 @p1 $0x1  }
0x15: {  	[smem:$0x3FB2] =	sst s0;
	s0 =	simm.s32 @!p2 $0x0  }
0x16: {  	s3 =	sld [smem:$0x3FDB];
	s0 =	simm.s32 @p2 $0x1  }
0x17: {  	s4 =	simm.s32 $0x1BF5;
	[smem:$0x3FB4] =	sst s0  }
0x18: {  	s0 =	sld [smem:$0x3F97];
	_ =	swait.ge [sflag:s4], $0x0  }
0x19: {  	s7 =	sld [smem:$0x3F98]  }
0x1a: {  	s8 =	sadd.s32 $0xFFFFE003, lr  }
0x1b: {  	s9 =	sadd.s32 $0xFFFFFEF7, lr;
	s5 =	simm.s32 $0xFFFFFFFF;
	p2 =	slt.u32 s8, $0xFFFFF086  }
0x1c: {  	p1 =	slt.u32 s9, $0xF7A;
	s5 =	simm.s32 @!p2 $0x0  }
0x1d: {  	s5 =	simm.s32 @p1 $0x1;
	p0 =	seq.s32 s7, s2  }
0x1e: {  	s7 =	smul.u32 @!p0 $0xF7A, s2;
	p2 =	seq.s32 @!p0 s5, $0x0  }
0x1f: {  	s9 =	smul.u32 $0xF7A, s1;
	s8 =	simm.s32 @!p0 $0x1BF5;
	p2 =	por !p2, p0  }
0x20: {  	[sflag:s8] =	ssyncset.s32 @!p0 $0xFFFFF086;
	s6 =	sadd.s32 @!p0 s3, s7;
	s7 =	simm.s32 @!p0 $0x108  }
0x21: {  	s3 =	sadd.s32 s3, s9;
	s6 =	sadd.s32 @!p0 $0x88, s6;
	s7 =	simm.s32 @p2 $0x1082  }
0x22: {  	[simem:s7], [sflag:s8] =	dma.local @!p0 [hbm:s6], $0xF7A  }
0x23: {  	s9 =	sor.u32 $0xD0000000, s2;
	s6 =	simm.s32 $0x108;
	_ =	swait.ge @!p0 [sflag:s8], $0x0  }
0x24: {  	s3 =	sadd.s32 $0x88, s3;
	s6 =	simm.s32 @!p1 $0x1082;
	[sflag:s4] =	ssyncset.s32 $0xFFFFF086  }
0x25: {  	[simem:s6], [sflag:s4] =	dma.local [hbm:s3], $0xF7A  }
0x26: {  	[smem:$0x3F98] =	sst s1;
	(tag) =	ssettag s2;
	_ =	strace s9  }
0x27: {  	s1 =	sld [smem:$0x3FA8]  }
0x28: {  	s2 =	sld [smem:$0x3FA9]  }
0x29: {  	s4 =	sld [smem:$0x3FAB]  }
0x2a: {  	p0 =	seq.s32 s5, $0x0;
	s5 =	sld [smem:$0x3FAC]  }
0x2b: {  	s6 =	sld [smem:$0x3FAD]  }
0x2c: {  	s7 =	sld [smem:$0x3FAE]  }
0x2d: {  	s3 =	simm.s32 $0x108;
	s8 =	sld [smem:$0x3FAF]  }
0x2e: {  	s3 =	simm.s32 @!p0 $0x1082;
	s9 =	sld [smem:$0x3FB0]  }
0x2f: {  	lr =	sadd.s32 s0, s3;
	s0 =	sld [smem:$0x3FA7]  }
0x30: {  	s3 =	sld [smem:$0x3FAA]  }
0x31: {  	[smem:$0x3FB3] =	sst s10  }
0x32: {  	s10 =	sld [smem:$0x3FB1];
	_ =	sdelay $0x3  }
0x33: {  	p0 =	seq.s32 s10, $0x1;
	s10 =	sld [smem:$0x3FB3];
	_ =	sdelay $0x3  }
0x34: {  	[smem:$0x3FB3] =	sst s10  }
0x35: {  	s10 =	sld [smem:$0x3FB2];
	_ =	sdelay $0x3  }
0x36: {  	p1 =	seq.s32 s10, $0x1;
	s10 =	sld [smem:$0x3FB3];
	_ =	sdelay $0x3  }
0x37: {  	[smem:$0x3FB3] =	sst s10  }
0x38: {  	s10 =	sld [smem:$0x3FB4]  }
0x39: {  	_ = 	snop;
	(pc) =	sbr.ind lr, $3  }
0x3a: {  	_ = 	snop  }
0x3b: {  	_ = 	snop  }
0x3c: {  	p2 =	seq.s32 s10, $0x1;
	s10 =	sld [smem:$0x3FB3]  }
0x3d: {  	_ =	shalt  }
0x3e: {  	_ =	shalt  }
0x3f: {  	_ =	shalt  }
0x40: {  	_ =	shalt  }
0x41: {  	_ =	shalt  }
0x42: {  	_ =	shalt  }
0x43: {  	_ =	shalt  }
0x44: {  	_ =	shalt  }
0x45: {  	_ =	shalt  }
0x46: {  	_ =	shalt  }
0x47: {  	_ =	shalt  }
0x48: {  	_ =	shalt  }
0x49: {  	_ =	shalt  }
0x4a: {  	_ =	shalt  }
0x4b: {  	_ =	shalt  }
0x4c: {  	_ =	shalt  }
0x4d: {  	_ =	shalt  }
0x4e: {  	_ =	shalt  }
0x4f: {  	_ =	shalt  }
0x50: {  	_ =	shalt  }
0x51: {  	_ =	shalt  }
0x52: {  	_ =	shalt  }
0x53: {  	_ =	shalt  }
0x54: {  	_ =	shalt  }
0x55: {  	_ =	shalt  }
0x56: {  	_ =	shalt  }
0x57: {  	_ =	shalt  }
0x58: {  	_ =	shalt  }
0x59: {  	_ =	shalt  }
0x5a: {  	_ =	shalt  }
0x5b: {  	_ =	shalt  }
0x5c: {  	_ =	shalt  }
0x5d: {  	_ =	shalt  }
0x5e: {  	_ =	shalt  }
0x5f: {  	_ =	shalt  }
0x60: {  	_ =	shalt  }
0x61: {  	_ =	shalt  }
0x62: {  	_ =	shalt  }
0x63: {  	_ =	shalt  }
0x64: {  	_ =	shalt  }
0x65: {  	_ =	shalt  }
0x66: {  	_ =	shalt  }
0x67: {  	_ =	shalt  }
0x68: {  	_ =	shalt  }
0x69: {  	_ =	shalt  }
0x6a: {  	_ =	shalt  }
0x6b: {  	_ =	shalt  }
0x6c: {  	_ =	shalt  }
0x6d: {  	_ =	shalt  }
0x6e: {  	_ =	shalt  }
0x6f: {  	_ =	shalt  }
0x70: {  	_ =	shalt  }
0x71: {  	_ =	shalt  }
0x72: {  	_ =	shalt  }
0x73: {  	_ =	shalt  }
0x74: {  	_ =	shalt  }
0x75: {  	_ =	shalt  }
0x76: {  	_ =	shalt  }
0x77: {  	_ =	shalt  }
0x78: {  	_ =	shalt  }
0x79: {  	_ =	shalt  }
0x7a: {  	_ =	shalt  }
0x7b: {  	_ =	shalt  }
0x7c: {  	_ =	shalt  }
0x7d: {  	_ =	shalt  }
0x7e: {  	_ =	shalt  }
0x7f: {  	_ =	shalt  }
0x80: {  	_ =	shalt  }
0x81: {  	_ =	shalt  }
0x82: {  	_ =	shalt  }
0x83: {  	_ =	shalt  }
0x84: {  	_ =	shalt  }
0x85: {  	_ =	shalt  }
0x86: {  	_ =	shalt  }
0x87: {  	_ =	shalt  }
.Lfunc_end0:
.L_simem_size_0:
called_computation_lowered:
.L_overlay_start_0:
0x88: {  	s2 =	sld [smem:$0x3FD9]  }
0x89: {  	s3 =	sld [smem:$0x3FFE];
	_ =	sdelay $0x1  }
0x8a: {  	s1 =	srdreg.scid  }
0x8b: {  	s0 =	sand.u32 $0x1, s1  }
0x8c: {  	s17 =	sshll.u32 s0, $0xA;
	s2 =	sadd.s32 s3, s2  }
0x8d: {  	s2 =	sadd.s32 s2, s17  }
0x8e: {  	[smem:$0x3FBF] =	sst s2  }
0x8f: {  	_ = 	snop  }
0x90: {  	s2 =	sld [smem:$0x3FD0];
	(tm) =	ssettm $0x1  }
0x91: {  	s18 =	sld [smem:$0x3FFB];
	_ =	sdelay $0x3  }
0x92: {  	_ =	strace s18  }
0x93: {  	s3 =	sld [smem:$0x3FFC];
	_ =	sdelay $0x3  }
0x94: {  	_ =	strace s3  }
0x95: {  	s3 =	sld [smem:$0x3FFD];
	_ =	sdelay $0x3  }
0x96: {  	_ =	strace s3  }
0x97: {  	_ =	strace $0x8FFFFFFF  }
0x98: {  	s19 =	sld [smem:$0x3FDB];
	_ =	sdelay $0x1  }
0x99: {  	s4 =	simm.s32 $_scs_section_size  }
0x9a: {  	s5 =	simm.s32 $_size__tile_overlayer_lowered;
	s6 =	simm.s32 $_tile_overlayer_lowered  }
0x9b: {  	s22 =	simm.s32 $0x1BFF;
	s21 =	sshll.u32 s6, $0x1;
	s3 =	sadd.s32 s4, s19  }
0x9c: {  	s7 =	simm.s32 $0x0;
	s20 =	sshll.u32 s5, $0x1;
	s5 =	sadd.s32 s21, s3  }
0x9d: {  	[timem:s7], [sflag:s22] =	dma.local [hbm:s5], s20  }
0x9e: {  	_ =	swait.ge [sflag:s22], s20  }
0x9f: {  	s4 =	ssub.s32 $0x0, s20;
	[sflag:s22] =	ssyncset.done $0x0  }
0xa0: {  	[sflag:s22] =	ssyncadd.s32 s4;
	_ =	sdelay $0x1  }
0xa1: {  	s23 =	simm.s32 $0x1B8B  }
0xa2: {  	_ =	swait.ge [sflag:s23], $0x1  }
0xa3: {  	[sflag:s23] =	ssyncset.done $0x0  }
0xa4: {  	s25 =	simm.s32 $0x1B8E;
	s24 =	sld [smem:$0x3FFE];
	[sflag:s23] =	ssyncadd.s32 $0xFFFFFFFF  }
0xa5: {  	s26 =	simm.s32 $execute0_lowered;
	[smem:$0x3FD2] =	sst s25  }
0xa6: {  	s5 =	sshll.u32 s26, $0x1;
	_ =	strace $0x80000046;
	[dreg:$0x1] =	wrdreg $0xFFFFFFFF  }
0xa7: {  	s28 =	simm.s32 $_size_execute0_lowered;
	s3 =	sadd.s32 s3, s5;
	[dreg:$0x0] =	wrdreg $0x0  }
0xa8: {  	s5 =	sshll.u32 s28, $0x1;
	[dreg:$0x2] =	wrdreg s3  }
0xa9: {  	[dreg:$0x3] =	wrdreg s5  }
0xaa: {  	[dreg:$0x4] =	wrdreg $0xC0  }
0xab: {  	_ =	task [dreg:s7], $0x5FFFF  }
0xac: {  	[dreg:$0x1] =	wrdreg $0xFFFFFFFF  }
0xad: {  	[dreg:$0x0] =	wrdreg $0x60  }
0xae: {  	[dreg:$0x2] =	wrdreg s2  }
0xaf: {  	[dreg:$0x3] =	wrdreg s24  }
0xb0: {  	[dreg:$0x4] =	wrdreg $0xC0000  }
0xb1: {  	[dreg:$0x5] =	wrdreg $0x9  }
0xb2: {  	_ =	task.clear_ibuf [dreg:s7], $0x6FFFF;
	_ =	strace $0x90000046  }
0xb3: {  	s29 =	simm.s32 $0x9;
	_ =	strace $0x80000048  }
0xb4: {  	_ =	swait.ge [sflag:s29], $0x1  }
0xb5: {  	[sflag:s29] =	ssyncadd.s32 $0xFFFFFFFF  }
0xb6: {  	_ =	strace $0x90000048  }
0xb7: {  	_ =	sfence  }
0xb8: {  	s30 =	sld [smem:$0x0];
	_ =	sdelay $0x2  }
0xb9: {  	s31 =	sshll.u32 s1, $0xD;
	s1 =	sshrl.u32 s1, $0x2  }
0xba: {  	s3 =	sand.u32 $0x4000, s31;
	s1 =	sadd.s32 s1, s30  }
0xbb: {  	s0 =	sor.u32 s3, s0;
	s1 =	sshll.u32 s1, $0x11  }
0xbc: {  	s0 =	sor.u32 s1, s0  }
0xbd: {  	s0 =	sadd.s32 $0x8F2B, s0  }
0xbe: {  	[sflag:s0] =	ssyncadd.remote.s32 $0x1  }
0xbf: {  	_ =	sfence.sel $0xFFFF  }
0xc0: {  	[dreg:$0x0] =	wrdreg $0xFFFFFFFF;
	(pc) =	sbr.abs _section_cstart, $3  }
0xc1: {  	[dreg:$0x1] =	wrdreg $0xFFFFFFFF  }
0xc2: {  	_ =	task.clear_ibuf [dreg:s7], $0x2FFFF;
	_ =	strace $0x9FFFFFFF  }
0xc3: {  	(tm) =	ssettm $0x7FFFFFFF  }
tec
execute0_lowered:
.L_overlay_start_1:
0x0: {  	(tag) =	ssettag $0x1  }
0x1: {  	s1 =	rddreg [dreg:$0x0]  }
0x2: {  	s5 =	rddreg [dreg:$0x1]  }
0x3: {  	s2 =	rddreg [dreg:$0x2]  }
0x4: {  	s3 =	srdreg.scid;
	s0 =	rddreg [dreg:$0x3]  }
0x5: {  	s4 =	simm.s32 $0x0;
	s13 =	simm.s32 $0x80;
	s16 =	simm.s32 $0x1  }
0x6: {  	s17 =	simm.s32 $0x4000;
	s11 =	sand.u32 $0x1, s3;
	s3 =	stileid.u32  }
0x7: {  	s18 =	simm.s32 $0x8000;
	[smem:$0x7FF] =	sst s4;
	s6 =	smul.u32 $0x140000, s11  }
0x8: {  	s21 =	simm.s32 $0x0;
	s7 =	smul.u32 $0x14000, s3;
	_ =	strace $0x80000047  }
0x9: {  	s8 =	sshll.u32 s11, $0xF;
	s9 =	sshll.u32 s3, $0xB;
	s28 =	smul.u32 $0x50000, s3  }
0xa: {  	s29 =	ssub.s32 $0x2, s11;
	p0 =	seq.s32 s11, $0x0;
	s11 =	simm.s32 $0x80  }
0xb: {  	s19 =	sshll.u32 s3, $0x6;
	s8 =	sor.u32 s9, s8;
	s30 =	sshrl.u32 s29, $0x1  }
0xc: {  	s11 =	simm.s32 @!p0 $0x1E;
	s19 =	sor.u32 $0x1C01, s19;
	s6 =	sadd.s32 s7, s6  }
0xd: {  	s8 =	sadd.s32 s8, s5;
	s31 =	sshrl.u32 s28, $0x2;
	s15 =	ssub.s32 s29, s30  }
0xe: {  	s6 =	sshrl.u32 s6, $0x3;
	s7 =	sadd.s32 $0x1800, s8;
	s15 =	smax.u32 s15, $0x1  }
0xf: {  	s14 =	sadd.s32 s6, s5;
	s5 =	sadd.s32 $0x11800, s8;
	s6 =	sadd.s32 s31, s2  }
0x10: {  	s8 =	sadd.s32 $0x4000, s6;
	s9 =	sadd.s32 $0x8000, s6;
	s10 =	sadd.s32 $0xC000, s6  }
0x11: {  	v0 =	vimm.f32 $0.0e+00;
	s12 =	sadd.s32 $0x10000, s6;
	s14 =	sadd.s32 $0x21800, s14;
	s20 =	sshrl.u32 s6, $0x3  }
.LBB2_1:
0x12: {  	[tilespmem:s4], [sflag:$0x1] =	stream.linear.gather [hbm4b:s5+s4], $0x4000, $0x38;
	v63 =	vld [tilespmem:$0x0]  }
0x13: {  	_ =	swait.ge [sflag:s16], $0x4000  }
0x14: {  	[sflag:s16] =	ssyncset.done $0x0  }
0x15: {  	[sflag:s16] =	ssyncadd.s32 $0xFFFFC000  }
0x16: {  	[tilespmem:s17], [sflag:$0x1] =	stream.linear.gather [hbm4b:s7+s4], $0x4000, $0x38;
	v63 =	vld [tilespmem:$0x0]  }
0x17: {  	_ =	swait.ge [sflag:s16], $0x4000  }
0x18: {  	[sflag:s16] =	ssyncset.done $0x0  }
0x19: {  	s22 =	simm.s32 $0x0;
	s23 =	simm.s32 $0x200;
	[sflag:s16] =	ssyncadd.s32 $0xFFFFC000  }
.LBB2_2:
0x1a: {  	p0 =	sne.s32 s23, $0xFE00;
	[tilespmem:s22+$0x8070] =	vst v0  }
0x1b: {  	[tilespmem:s22+$0x8000] =	vst v0  }
0x1c: {  	[tilespmem:s22+$0x8010] =	vst v0  }
.Ltmp0:
0x1d: {  	[tilespmem:s22+$0x8020] =	vst v0;
	(pc) =	sbr.rel @p0 .LBB2_2-.Ltmp0, $4  }
0x1e: {  	[tilespmem:s22+$0x8030] =	vst v0  }
0x1f: {  	[tilespmem:s22+$0x8040] =	vst v0  }
0x20: {  	[tilespmem:s22+$0x8050] =	vst v0  }
0x21: {  	[tilespmem:s22+$0x8060] =	vst v0;
	s22 =	sshra.s32 s23, $0x2;
	s23 =	sadd.s32 $0x200, s23  }
0x22: {  	[tilespmem:s22+$0x8070] =	vst v0  }
0x23: {  	[tilespmem:s22+$0x8000] =	vst v0  }
0x24: {  	[tilespmem:s22+$0x8010] =	vst v0  }
0x25: {  	[tilespmem:s22+$0x8020] =	vst v0  }
0x26: {  	[tilespmem:s22+$0x8030] =	vst v0  }
0x27: {  	[tilespmem:s22+$0x8040] =	vst v0  }
0x28: {  	[tilespmem:s22+$0x8050] =	vst v0  }
0x29: {  	[tilespmem:s22+$0x8060] =	vst v0  }
0x2a: {  	[spmem:s6] =	stream.linear.scatter [tilespmem:s18], [sflag:$0x1], $0x4000, $0x38;
	v63 =	vld [tilespmem:$0x0]  }
0x2b: {  	_ =	swait.ge [sflag:s16], $0x4000  }
0x2c: {  	[sflag:s16] =	ssyncset.done $0x0  }
0x2d: {  	[sflag:s16] =	ssyncadd.s32 $0xFFFFC000  }
0x2e: {  	[spmem:s8] =	stream.linear.scatter [tilespmem:s18], [sflag:$0x1], $0x4000, $0x38;
	v63 =	vld [tilespmem:$0x0]  }
0x2f: {  	_ =	swait.ge [sflag:s16], $0x4000  }
0x30: {  	[sflag:s16] =	ssyncset.done $0x0  }
0x31: {  	[sflag:s16] =	ssyncadd.s32 $0xFFFFC000  }
0x32: {  	[spmem:s9] =	stream.linear.scatter [tilespmem:s18], [sflag:$0x1], $0x4000, $0x38;
	v63 =	vld [tilespmem:$0x0]  }
0x33: {  	_ =	swait.ge [sflag:s16], $0x4000  }
0x34: {  	[sflag:s16] =	ssyncset.done $0x0  }
0x35: {  	[sflag:s16] =	ssyncadd.s32 $0xFFFFC000  }
0x36: {  	[spmem:s10] =	stream.linear.scatter [tilespmem:s18], [sflag:$0x1], $0x4000, $0x38;
	v63 =	vld [tilespmem:$0x0]  }
0x37: {  	_ =	swait.ge [sflag:s16], $0x4000  }
0x38: {  	[sflag:s16] =	ssyncset.done $0x0  }
0x39: {  	[sflag:s16] =	ssyncadd.s32 $0xFFFFC000  }
0x3a: {  	[spmem:s12] =	stream.linear.scatter [tilespmem:s18], [sflag:$0x1], $0x4000, $0x38;
	v63 =	vld [tilespmem:$0x0]  }
0x3b: {  	_ =	swait.ge [sflag:s16], $0x4000  }
0x3c: {  	[sflag:s16] =	ssyncset.done $0x0  }
0x3d: {  	[sflag:s16] =	ssyncadd.s32 $0xFFFFC000  }
0x3e: {  	s22 =	simm.s32 $0x0;
	[bflag:$0x0] =	sbarrier.arrive $0xFFFF  }
0x3f: {  	[tilespmem:s18], [sflag:$0x1] =	stream.indirect.gather [hbm4b:s1+s13], $0x80, s22, s13, $0xb8;
	v63 =	vld [tilespmem:$0x0]  }
0x40: {  	p0 =	sne.s32 s11, $0x1;
	_ =	swait.ge [sflag:s16], $0x4000  }
.Ltmp1:
0x41: {  	[sflag:s16] =	ssyncset.done $0x0;
	(pc) =	sbr.rel @!p0 .LBB2_5-.Ltmp1, $4  }
0x42: {  	s23 =	simm.s32 $0x4000;
	[sflag:s16] =	ssyncadd.s32 $0xFFFFC000  }
0x43: {  	[spmem:s2] =	stream.indirect.scatter.add.f32 [tilespmem:s18], [sflag:$0x1], $0x80, s23, s13, $0xb8;
	v63 =	vld [tilespmem:$0x0]  }
0x44: {  	_ =	swait.ge [sflag:s16], $0x4000  }
0x45: {  	s24 =	sadd.s32 $0xFFFFFFFF, s11;
	[sflag:s16] =	ssyncset.done $0x0  }
.LBB2_4:
0x46: {  	[sflag:s16] =	ssyncadd.s32 $0xFFFFC000;
	s22 =	sadd.s32 $0x80, s22;
	s23 =	sadd.s32 $0x80, s23  }
0x47: {  	[tilespmem:s18], [sflag:$0x1] =	stream.indirect.gather [hbm4b:s1+s13], $0x80, s22, s13, $0xb8;
	v63 =	vld [tilespmem:$0x0]  }
0x48: {  	p0 =	sne.s32 s24, $0x1;
	s24 =	sadd.s32 $0xFFFFFFFF, s24;
	_ =	swait.ge [sflag:s16], $0x4000  }
.Ltmp2:
0x49: {  	[sflag:s16] =	ssyncset.done $0x0;
	(pc) =	sbr.rel @p0 .LBB2_4-.Ltmp2, $4  }
0x4a: {  	[sflag:s16] =	ssyncadd.s32 $0xFFFFC000  }
0x4b: {  	[spmem:s2] =	stream.indirect.scatter.add.f32 [tilespmem:s18], [sflag:$0x1], $0x80, s23, s13, $0xb8;
	v63 =	vld [tilespmem:$0x0]  }
0x4c: {  	_ =	swait.ge [sflag:s16], $0x4000  }
0x4d: {  	[sflag:s16] =	ssyncset.done $0x0  }
.LBB2_5:
0x4e: {  	s21 =	sadd.s32 $0x1, s21  }
0x4f: {  	[sflag:s16] =	ssyncadd.s32 $0xFFFFC000;
	p0 =	sne.s32 s21, s15  }
.Ltmp3:
0x50: {  	[bflag:$0x0] =	sbarrier.arrive $0xFFFF;
	(pc) =	sbr.rel @p0 .LBB2_1-.Ltmp3, $4  }
0x51: {  	[hbm:s14], [sflag:s19] =	dma.local [spmem:s20], $0x2800  }
0x52: {  	_ =	swait.ge [sflag:s16], $0x2800  }
0x53: {  	[sflag:s16] =	ssyncset.done $0x0  }
0x54: {  	[sflag:s16] =	ssyncadd.s32 $0xFFFFD800  }
0x55: {  	_ =	sfence.sel $0x180000  }
0x56: {  	[bflag:$0x0] =	sbarrier.arrive $0xFFFF  }
0x57: {  	p0 =	sne.s32 s3, $0x0;
	_ =	strace $0x90000047  }
0x58: {  	s0 =	sadd.s32 @!p0 $0x100000, s0;
	[bflag:$0x2] =	sbarrier.arrive $0xFFFF  }
0x59: {  	[sflag:s0] =	ssyncadd.tile.s32 @!p0 $0x1;
	_ =	shalt  }
.Lfunc_end2:
_tile_overlayer_lowered:
.L_overlay_start_2:
0x5a: {  	(tag) =	ssettag $0x2  }
0x5b: {  	s0 =	rddreg [dreg:$0x0];
	s2 =	stileid.u32  }
0x5c: {  	s1 =	rddreg [dreg:$0x1];
	p0 =	sne.s32 s2, $0x0  }
0x5d: {  	s3 =	rddreg [dreg:$0x2];
	[bflag:$0x3] =	sbarrier.arrive $0xFFFF;
	s2 =	simm.s32 @!p0 $0x1C01  }
0x5e: {  	[timem:s3], [sflag:s2] =	dma.local @!p0 [hbm:s0], s1  }
0x5f: {  	s0 =	simm.s32 @!p0 $0x1  }
0x60: {  	_ =	swait.ge @!p0 [sflag:s0], s1  }
0x61: {  	s1 =	ssub.s32 @!p0 $0x0, s1;
	[sflag:s0] =	ssyncset.done @!p0 $0x0  }
0x62: {  	[sflag:s0] =	ssyncadd.s32 @!p0 s1  }
0x63: {  	[bflag:$0x3] =	sbarrier.arrive $0xFFFF  }
0x64: {  	_ =	shalt  }

</sc_bundles>
